<compile_context>
chip_gen: v7x
topology: tpu7x:2x2x1
jax: 0.10.2.dev20260603
libtpu: 0.0.44.dev20260713+nightly
codegen_flags: <defaults>
</compile_context>

<pallas_src>
import functools

import jax
import jax.numpy as jnp
from jax import lax
from jax.experimental import pallas as pl
from jax.experimental.pallas import tpu as pltpu
from jax.experimental.pallas import tpu_sc as plsc

N = 10000
E = 320000
DIN = 128
H = 64
NG = 16

NC = 2
NS = 16
NW = NC * NS
EPW = E // NW
CH = 80
NCH = EPW // CH
ROWS_PT = 632
NPAD = NS * ROWS_PT
SROWS = 632
FH = NPAD // 2
BRF = 2528
NBLKF = FH // BRF


def _sc_segsum_body(vals_hbm, edges_hbm, z_hbm, out_hbm,
                    sidx, didx, rows_a, rows_b, table, acc,
                    sem_a, sem_b, sem_z):
    cid = lax.axis_index("c")
    sid = lax.axis_index("s")
    wid = cid * NS + sid

    pltpu.async_copy(edges_hbm.at[0, wid], sidx, sem_a)
    pltpu.async_copy(edges_hbm.at[1, wid], didx, sem_b)
    pltpu.async_copy(z_hbm, acc.at[pl.ds(sid * ROWS_PT, ROWS_PT)], sem_z)
    pltpu.sync_copy(vals_hbm.at[pl.ds(sid * SROWS, SROWS)],
                    table.at[pl.ds(sid * SROWS, SROWS)])
    pltpu.make_async_copy(edges_hbm.at[0, wid], sidx, sem_a).wait()
    pltpu.make_async_copy(edges_hbm.at[1, wid], didx, sem_b).wait()
    pltpu.make_async_copy(
        z_hbm, acc.at[pl.ds(sid * ROWS_PT, ROWS_PT)], sem_z).wait()

    def gather(j, buf, sem):
        pltpu.async_copy(table.at[sidx.at[j]], buf, sem)

    def wait(buf, sem):
        pltpu.make_async_copy(vals_hbm.at[pl.ds(0, CH)], buf, sem).wait()

    def scatter(j, buf):
        pltpu.sync_copy(buf, acc.at[didx.at[j]], add=True)

    plsc.subcore_barrier()
    gather(0, rows_a, sem_a)

    def pair(jp, carry):
        a = 2 * jp
        gather(a + 1, rows_b, sem_b)
        wait(rows_a, sem_a)
        scatter(a, rows_a)
        gather(a + 2, rows_a, sem_a)
        wait(rows_b, sem_b)
        scatter(a + 1, rows_b)
        return carry

    lax.fori_loop(0, (NCH - 1) // 2, pair, 0)
    wait(rows_a, sem_a)
    scatter(NCH - 1, rows_a)

    plsc.subcore_barrier()
    pltpu.sync_copy(acc.at[pl.ds(sid * ROWS_PT, ROWS_PT)],
                    out_hbm.at[pl.ds(cid * NPAD + sid * ROWS_PT, ROWS_PT)])


_sc_mesh = plsc.VectorSubcoreMesh(core_axis_name="c", subcore_axis_name="s",
                                  num_cores=NC, num_subcores=NS)

_sc_segsum = functools.partial(
    pl.kernel,
    out_type=jax.ShapeDtypeStruct((NC * NPAD, H), jnp.float32),
    mesh=_sc_mesh,
    scratch_types=[
        pltpu.VMEM((NCH, CH), jnp.int32),
        pltpu.VMEM((NCH, CH), jnp.int32),
        pltpu.VMEM((CH, H), jnp.float32),
        pltpu.VMEM((CH, H), jnp.float32),
        pltpu.VMEM_SHARED((NPAD, H), jnp.float32),
        pltpu.VMEM_SHARED((NPAD, H), jnp.float32),
        pltpu.SemaphoreType.DMA,
        pltpu.SemaphoreType.DMA,
        pltpu.SemaphoreType.DMA,
    ],
    compiler_params=pltpu.CompilerParams(use_tc_tiling_on_sc=False),
)(_sc_segsum_body)


def _dot(a, b):
    return jnp.dot(a, b, preferred_element_type=jnp.float32)


def _tc_layer1_body(xa_ref, xb_ref, wall, ball, base_ref, c_ref):
    xcat = jnp.concatenate([xa_ref[...], xb_ref[...]], axis=1)
    p = _dot(xcat, wall[...]) + ball[...]
    F = 2 * H
    base_ref[...] = p[:, :F] + p[:, F:2 * F] * p[:, 2 * F:3 * F]
    c_ref[...] = p[:, 3 * F:]


def _tc_mid_body(base_ref, g_ref, bc, wall, ball, baseo_ref, co_ref):
    h = jnp.maximum(base_ref[...] + g_ref[0] + g_ref[1] + bc[...], 0.0)
    p = _dot(h, wall[...]) + ball[...]
    F = 2 * H
    baseo_ref[...] = p[:, :F] + p[:, F:2 * F] * p[:, 2 * F:3 * F]
    co_ref[...] = p[:, 3 * F:]


def _tc_final_body(base_ref, g_ref, bc, oht_ref, ohb_ref,
                   wf1, bf1, wf2, bf2, out_ref, acc, cnt):
    i = pl.program_id(0)

    @pl.when(i == 0)
    def _():
        acc[...] = jnp.zeros_like(acc)
        cnt[...] = jnp.zeros_like(cnt)

    h = jnp.maximum(base_ref[...] + g_ref[0] + g_ref[1] + bc[...], 0.0)
    seg = lax.broadcasted_iota(jnp.int32, (1, NG), 1)
    oht = (oht_ref[...] == seg).astype(jnp.float32)
    ohb = (ohb_ref[...] == seg).astype(jnp.float32)

    def _dgt(oh, v):
        return lax.dot_general(oh, v, (((0,), (0,)), ((), ())),
                               preferred_element_type=jnp.float32)

    ones = jnp.ones((BRF, H), jnp.float32)
    acc[...] += _dgt(oht, h[:, :H]) + _dgt(ohb, h[:, H:])
    cnt[...] += _dgt(oht, ones) + _dgt(ohb, ones)

    @pl.when(i == NBLKF - 1)
    def _():
        pooled = acc[...] / jnp.maximum(cnt[...], 1.0)
        t = _dot(pooled, wf1[...]) + bf1[...]
        out_ref[...] = _dot(t, wf2[...]) + bf2[...]


def _full(shape):
    return pl.BlockSpec(shape, lambda i: tuple(0 for _ in shape))


def _frows():
    return pl.BlockSpec((BRF, 2 * H), lambda i: (i, 0))


def _tc_layer1(xpad, wall, ball):
    xa = pl.BlockSpec((BRF, DIN), lambda i: (i, 0))
    xb = pl.BlockSpec((BRF, DIN), lambda i: (i + NBLKF, 0))
    return pl.pallas_call(
        _tc_layer1_body,
        grid=(NBLKF,),
        in_specs=[xa, xb, _full((2 * DIN, 8 * H)), _full((1, 8 * H))],
        out_specs=[_frows(), _frows()],
        out_shape=[jax.ShapeDtypeStruct((FH, 2 * H), jnp.float32),
                   jax.ShapeDtypeStruct((FH, 2 * H), jnp.float32)],
        compiler_params=pltpu.CompilerParams(
            dimension_semantics=("parallel",)),
    )(xpad, xpad, wall, ball)


def _tc_mid(base, g, bc, wall, ball):
    gspec = pl.BlockSpec((NC, BRF, 2 * H), lambda i: (0, i, 0))
    return pl.pallas_call(
        _tc_mid_body,
        grid=(NBLKF,),
        in_specs=[_frows(), gspec, _full((1, 2 * H)),
                  _full((2 * H, 8 * H)), _full((1, 8 * H))],
        out_specs=[_frows(), _frows()],
        out_shape=[jax.ShapeDtypeStruct((FH, 2 * H), jnp.float32),
                   jax.ShapeDtypeStruct((FH, 2 * H), jnp.float32)],
        compiler_params=pltpu.CompilerParams(
            dimension_semantics=("parallel",)),
    )(base, g, bc, wall, ball)


def _tc_final(base, g, bc, onehot, wf1, bf1, wf2, bf2, ncls):
    gspec = pl.BlockSpec((NC, BRF, 2 * H), lambda i: (0, i, 0))
    oht = pl.BlockSpec((BRF, 1), lambda i: (i, 0))
    ohb = pl.BlockSpec((BRF, 1), lambda i: (i + NBLKF, 0))
    return pl.pallas_call(
        _tc_final_body,
        grid=(NBLKF,),
        in_specs=[_frows(), gspec, _full((1, 2 * H)), oht, ohb,
                  _full((H, 10)), _full((1, 10)),
                  _full((10, ncls)), _full((1, ncls))],
        out_specs=_full((NG, ncls)),
        out_shape=jax.ShapeDtypeStruct((NG, ncls), jnp.float32),
        scratch_shapes=[pltpu.VMEM((NG, H), jnp.float32),
                        pltpu.VMEM((NG, H), jnp.float32)],
        compiler_params=pltpu.CompilerParams(
            dimension_semantics=("arbitrary",)),
    )(base, g, bc, onehot, onehot, wf1, bf1, wf2, bf2)


def _fold_w(w):
    z = jnp.zeros_like(w)
    return jnp.concatenate([jnp.concatenate([w, z], axis=1),
                            jnp.concatenate([z, w], axis=1)], axis=0)


def _fold_b(b):
    return jnp.concatenate([b, b]).reshape(1, 2 * H)


def kernel(x, edge_index, batch,
           W_fc11, b_fc11, W_fc12, b_fc12, W_fc13, b_fc13, W_conv1, b_conv1,
           W_fc21, b_fc21, W_fc22, b_fc22, W_fc23, b_fc23, W_conv2, b_conv2,
           W_fc31, b_fc31, W_fc32, b_fc32, W_fc33, b_fc33, W_conv3, b_conv3,
           W_fc1, b_fc1, W_fc2, b_fc2):
    ncls = W_fc2.shape[1]

    xpad = jnp.concatenate(
        [x, jnp.zeros((NPAD - N, DIN), jnp.float32)], axis=0)

    e4 = edge_index.reshape(2, NW, NCH, CH)
    edges4 = jnp.where(e4 < FH, 2 * e4, 2 * (e4 - FH) + 1).astype(jnp.int32)
    zeros = jnp.zeros((ROWS_PT, H), jnp.float32)

    bpad = jnp.concatenate(
        [batch, jnp.full((NPAD - N,), -1, batch.dtype)]
    ).astype(jnp.int32).reshape(NPAD, 1)

    def segsum(c_f):
        out = _sc_segsum(c_f.reshape(NPAD, H), edges4, zeros)
        return out.reshape(NC, FH, 2 * H)

    def wball(w1, b1, w2, b2, w3, b3, wc):
        wall = jnp.concatenate(
            [_fold_w(w1), _fold_w(w2), _fold_w(w3), _fold_w(wc)], axis=1)
        ball = jnp.concatenate(
            [_fold_b(b1), _fold_b(b2), _fold_b(b3),
             jnp.zeros((1, 2 * H), jnp.float32)], axis=1)
        return wall, ball

    base1, c1 = _tc_layer1(
        xpad, *wball(W_fc11, b_fc11, W_fc12, b_fc12, W_fc13, b_fc13,
                     W_conv1))
    g1 = segsum(c1)
    base2, c2 = _tc_mid(
        base1, g1, _fold_b(b_conv1),
        *wball(W_fc21, b_fc21, W_fc22, b_fc22, W_fc23, b_fc23, W_conv2))
    g2 = segsum(c2)
    base3, c3 = _tc_mid(
        base2, g2, _fold_b(b_conv2),
        *wball(W_fc31, b_fc31, W_fc32, b_fc32, W_fc33, b_fc33, W_conv3))
    g3 = segsum(c3)
    return _tc_final(base3, g3, _fold_b(b_conv3), bpad,
                     W_fc1, b_fc1.reshape(1, 10), W_fc2,
                     b_fc2.reshape(1, ncls), ncls)

# --- scband reference (transcript-rebuilt; emitter-appended) ---
"""Pipeline reference for scband-gnnml1-2181843387146 (READ-ONLY COPY).

The authoritative reference and input builder live on the scoring server;
editing this copy changes nothing except your own understanding.
"""

import jax, jax.numpy as jnp
import numpy as np

N = 10000
E = 320000
DIN = 128
H = 64
NGRAPH = 16
NCLS = 1

def _lin(key, fan_in, fan_out):
    k1, k2 = jax.random.split(key)
    lim = 1.0 / np.sqrt(fan_in)
    W = jax.random.uniform(k1, (fan_in, fan_out), minval=-lim, maxval=lim, dtype=jnp.float32)
    b = jax.random.uniform(k2, (fan_out,), minval=-lim, maxval=lim, dtype=jnp.float32)
    return W, b

def setup_inputs(seed: int = 0):
    key = jax.random.key(seed)
    ks = jax.random.split(key, 17)
    inp = {}
    inp["x"] = jax.random.normal(ks[0], (N, DIN), dtype=jnp.float32)
    inp["edge_index"] = jax.random.randint(ks[1], (2, E), 0, N, dtype=jnp.int32)
    inp["batch"] = jnp.sort(jax.random.randint(ks[2], (N,), 0, NGRAPH, dtype=jnp.int32))
    specs = [("fc11", DIN, H), ("fc12", DIN, H), ("fc13", DIN, H), ("conv1", DIN, H),
             ("fc21", H, H), ("fc22", H, H), ("fc23", H, H), ("conv2", H, H),
             ("fc31", H, H), ("fc32", H, H), ("fc33", H, H), ("conv3", H, H),
             ("fc1", H, 10), ("fc2", 10, NCLS)]
    for i, (name, fi, fo) in enumerate(specs):
        W, b = _lin(ks[3 + i], fi, fo)
        inp["W_" + name] = W
        inp["b_" + name] = b
    return inp

def reference(x, edge_index, batch,
              W_fc11, b_fc11, W_fc12, b_fc12, W_fc13, b_fc13, W_conv1, b_conv1,
              W_fc21, b_fc21, W_fc22, b_fc22, W_fc23, b_fc23, W_conv2, b_conv2,
              W_fc31, b_fc31, W_fc32, b_fc32, W_fc33, b_fc33, W_conv3, b_conv3,
              W_fc1, b_fc1, W_fc2, b_fc2):
    # SpectConv with K=1, selfconn=False, edge_attr = ones:
    # h_dst = sum_{edges (src->dst)} 1.0 * x[src]; out = h @ W + b
    src = edge_index[0]
    dst = edge_index[1]

    def conv(h, W, b):
        agg = jax.ops.segment_sum(h[src], dst, num_segments=N)
        return agg @ W + b

    h = jax.nn.relu((x @ W_fc11 + b_fc11) + conv(x, W_conv1, b_conv1)
                    + (x @ W_fc12 + b_fc12) * (x @ W_fc13 + b_fc13))
    h = jax.nn.relu((h @ W_fc21 + b_fc21) + conv(h, W_conv2, b_conv2)
                    + (h @ W_fc22 + b_fc22) * (h @ W_fc23 + b_fc23))
    h = jax.nn.relu((h @ W_fc31 + b_fc31) + conv(h, W_conv3, b_conv3)
                    + (h @ W_fc32 + b_fc32) * (h @ W_fc33 + b_fc33))
    # global_mean_pool
    ones = jnp.ones((N,), dtype=jnp.float32)
    cnt = jax.ops.segment_sum(ones, batch, num_segments=NGRAPH)
    pooled = jax.ops.segment_sum(h, batch, num_segments=NGRAPH) / jnp.maximum(cnt, 1.0)[:, None]
    out = pooled @ W_fc1 + b_fc1
    return out @ W_fc2 + b_fc2

if __name__ == "__main__":
    import jax
    _d = setup_inputs()
    print(jax.jit(kernel)(*tuple(_d.values())))

</pallas_src>

<mosaic_0001>
#map = affine_map<(d0, d1) -> (0, 0)>
#map1 = affine_map<(d0, d1) -> (0, 0, 0, 0)>
module attributes {stable_mosaic.version = 14 : i64} {
  func.func @_sc_segsum_body(%arg0: i32, %arg1: i32, %arg2: memref<10112x64xf32, #tpu.memory_space<hbm>>, %arg3: memref<2x32x125x80xi32, #tpu.memory_space<hbm>>, %arg4: memref<632x64xf32, #tpu.memory_space<hbm>>, %arg5: memref<20224x64xf32, #tpu.memory_space<hbm>>, %arg6: memref<125x80xi32, #tpu.memory_space<vmem>>, %arg7: memref<125x80xi32, #tpu.memory_space<vmem>>, %arg8: memref<80x64xf32, #tpu.memory_space<vmem>>, %arg9: memref<80x64xf32, #tpu.memory_space<vmem>>, %arg10: memref<10112x64xf32, #tpu.memory_space<vmem_shared>>, %arg11: memref<10112x64xf32, #tpu.memory_space<vmem_shared>>, %arg12: memref<!tpu.dma_semaphore, #tpu.memory_space<semaphore_mem>>, %arg13: memref<!tpu.dma_semaphore, #tpu.memory_space<semaphore_mem>>, %arg14: memref<!tpu.dma_semaphore, #tpu.memory_space<semaphore_mem>>) attributes {dimension_semantics = [#tpu.dimension_semantics<core_parallel>, #tpu.dimension_semantics<subcore_parallel>], iteration_bounds = array<i64: 2, 16>, scalar_prefetch = 0 : i64, scratch_operands = 9 : i64, tpu.core_type = #tpu.core_type<sc_vector_subcore>, window_params = [{transform_indices = #map}, {transform_indices = #map1}, {transform_indices = #map}, {transform_indices = #map}]} {
    %mul3A = arith.constant 16 : i32
    %mul3A_0 = arith.muli %arg0, %mul3A : i32
    %add3A = arith.addi %mul3A_0, %arg1 : i32
    %dma_start3A = arith.constant 0 : i32
    %dma_start3A_1 = arith.constant 0 : i32
    %dma_start3A_2 = arith.constant 0 : i32
    %dma_start3A_3 = tpu.memref_slice %arg3[%dma_start3A, %add3A, %dma_start3A_1, %dma_start3A_2] : memref<2x32x125x80xi32, #tpu.memory_space<hbm>> -> memref<1x1x125x80xi32, #tpu.memory_space<hbm>>
    %dma_start3A_4 = tpu.memref_squeeze %dma_start3A_3 : memref<1x1x125x80xi32, #tpu.memory_space<hbm>> -> memref<125x80xi32, #tpu.memory_space<hbm>>
    %dma_start3A_5 = arith.constant 0 : i32
    %dma_start3A_6 = arith.constant 0 : i32
    %dma_start3A_7 = tpu.memref_slice %arg3[%dma_start3A, %add3A, %dma_start3A_5, %dma_start3A_6] : memref<2x32x125x80xi32, #tpu.memory_space<hbm>> -> memref<1x1x125x80xi32, #tpu.memory_space<hbm>>
    %dma_start3A_8 = tpu.memref_squeeze %dma_start3A_7 : memref<1x1x125x80xi32, #tpu.memory_space<hbm>> -> memref<125x80xi32, #tpu.memory_space<hbm>>
    tpu.enqueue_dma source(%dma_start3A_8 : memref<125x80xi32, #tpu.memory_space<hbm>>) target(%arg6 : memref<125x80xi32, #tpu.memory_space<vmem>>) target_semaphore(%arg12 : memref<!tpu.dma_semaphore, #tpu.memory_space<semaphore_mem>>)
    %dma_start3A_9 = arith.constant 1 : i32
    %dma_start3A_10 = arith.constant 0 : i32
    %dma_start3A_11 = arith.constant 0 : i32
    %dma_start3A_12 = tpu.memref_slice %arg3[%dma_start3A_9, %add3A, %dma_start3A_10, %dma_start3A_11] : memref<2x32x125x80xi32, #tpu.memory_space<hbm>> -> memref<1x1x125x80xi32, #tpu.memory_space<hbm>>
    %dma_start3A_13 = tpu.memref_squeeze %dma_start3A_12 : memref<1x1x125x80xi32, #tpu.memory_space<hbm>> -> memref<125x80xi32, #tpu.memory_space<hbm>>
    %dma_start3A_14 = arith.constant 0 : i32
    %dma_start3A_15 = arith.constant 0 : i32
    %dma_start3A_16 = tpu.memref_slice %arg3[%dma_start3A_9, %add3A, %dma_start3A_14, %dma_start3A_15] : memref<2x32x125x80xi32, #tpu.memory_space<hbm>> -> memref<1x1x125x80xi32, #tpu.memory_space<hbm>>
    %dma_start3A_17 = tpu.memref_squeeze %dma_start3A_16 : memref<1x1x125x80xi32, #tpu.memory_space<hbm>> -> memref<125x80xi32, #tpu.memory_space<hbm>>
    tpu.enqueue_dma source(%dma_start3A_17 : memref<125x80xi32, #tpu.memory_space<hbm>>) target(%arg7 : memref<125x80xi32, #tpu.memory_space<vmem>>) target_semaphore(%arg13 : memref<!tpu.dma_semaphore, #tpu.memory_space<semaphore_mem>>)
    %mul3A_18 = arith.constant 632 : i32
    %mul3A_19 = arith.muli %arg1, %mul3A_18 : i32
    %dma_start3A_20 = arith.constant 0 : i32
    %dma_start3A_21 = tpu.memref_slice %arg11[%mul3A_19, %dma_start3A_20] : memref<10112x64xf32, #tpu.memory_space<vmem_shared>> -> memref<632x64xf32, #tpu.memory_space<vmem_shared>>
    tpu.enqueue_dma source(%arg4 : memref<632x64xf32, #tpu.memory_space<hbm>>) target(%dma_start3A_21 : memref<632x64xf32, #tpu.memory_space<vmem_shared>>) target_semaphore(%arg14 : memref<!tpu.dma_semaphore, #tpu.memory_space<semaphore_mem>>)
    %mul3A_22 = arith.constant 632 : i32
    %mul3A_23 = arith.muli %arg1, %mul3A_22 : i32
    %mul3A_24 = arith.constant 632 : i32
    %mul3A_25 = arith.muli %arg1, %mul3A_24 : i32
    "tpu.region"() ({
      %run_scoped3A_73 = tpu.sem_alloc : memref<!tpu.dma_semaphore, #tpu.memory_space<semaphore_mem>>
      %dma_start3A_74 = arith.constant 0 : i32
      %dma_start3A_75 = tpu.memref_slice %arg10[%mul3A_25, %dma_start3A_74] : memref<10112x64xf32, #tpu.memory_space<vmem_shared>> -> memref<632x64xf32, #tpu.memory_space<vmem_shared>>
      %dma_start3A_76 = arith.constant 0 : i32
      %dma_start3A_77 = tpu.memref_slice %arg2[%mul3A_23, %dma_start3A_76] : memref<10112x64xf32, #tpu.memory_space<hbm>> -> memref<632x64xf32, #tpu.memory_space<hbm>>
      tpu.enqueue_dma source(%dma_start3A_77 : memref<632x64xf32, #tpu.memory_space<hbm>>) target(%dma_start3A_75 : memref<632x64xf32, #tpu.memory_space<vmem_shared>>) target_semaphore(%run_scoped3A_73 : memref<!tpu.dma_semaphore, #tpu.memory_space<semaphore_mem>>)
      %dma_wait3A_78 = arith.constant 0 : i32
      %dma_wait3A_79 = tpu.memref_slice %arg10[%mul3A_25, %dma_wait3A_78] : memref<10112x64xf32, #tpu.memory_space<vmem_shared>> -> memref<632x64xf32, #tpu.memory_space<vmem_shared>>
      %dma_wait3A_80 = arith.constant 0 : i32
      %dma_wait3A_81 = tpu.memref_slice %arg2[%mul3A_23, %dma_wait3A_80] : memref<10112x64xf32, #tpu.memory_space<hbm>> -> memref<632x64xf32, #tpu.memory_space<hbm>>
      tpu.wait_dma2 semaphore(%run_scoped3A_73 : memref<!tpu.dma_semaphore, #tpu.memory_space<semaphore_mem>>) src(%dma_wait3A_81 : memref<632x64xf32, #tpu.memory_space<hbm>>) dst(%dma_wait3A_79 : memref<632x64xf32, #tpu.memory_space<vmem_shared>>)
      tpu.yield
    }) : () -> ()
    %dma_wait3A = arith.constant 0 : i32
    %dma_wait3A_26 = arith.constant 0 : i32
    %dma_wait3A_27 = arith.constant 0 : i32
    %dma_wait3A_28 = tpu.memref_slice %arg3[%dma_wait3A, %add3A, %dma_wait3A_26, %dma_wait3A_27] : memref<2x32x125x80xi32, #tpu.memory_space<hbm>> -> memref<1x1x125x80xi32, #tpu.memory_space<hbm>>
    %dma_wait3A_29 = tpu.memref_squeeze %dma_wait3A_28 : memref<1x1x125x80xi32, #tpu.memory_space<hbm>> -> memref<125x80xi32, #tpu.memory_space<hbm>>
    %dma_wait3A_30 = arith.constant 0 : i32
    %dma_wait3A_31 = arith.constant 0 : i32
    %dma_wait3A_32 = tpu.memref_slice %arg3[%dma_wait3A, %add3A, %dma_wait3A_30, %dma_wait3A_31] : memref<2x32x125x80xi32, #tpu.memory_space<hbm>> -> memref<1x1x125x80xi32, #tpu.memory_space<hbm>>
    %dma_wait3A_33 = tpu.memref_squeeze %dma_wait3A_32 : memref<1x1x125x80xi32, #tpu.memory_space<hbm>> -> memref<125x80xi32, #tpu.memory_space<hbm>>
    tpu.wait_dma2 semaphore(%arg12 : memref<!tpu.dma_semaphore, #tpu.memory_space<semaphore_mem>>) src(%dma_wait3A_33 : memref<125x80xi32, #tpu.memory_space<hbm>>) dst(%arg6 : memref<125x80xi32, #tpu.memory_space<vmem>>)
    %dma_wait3A_34 = arith.constant 1 : i32
    %dma_wait3A_35 = arith.constant 0 : i32
    %dma_wait3A_36 = arith.constant 0 : i32
    %dma_wait3A_37 = tpu.memref_slice %arg3[%dma_wait3A_34, %add3A, %dma_wait3A_35, %dma_wait3A_36] : memref<2x32x125x80xi32, #tpu.memory_space<hbm>> -> memref<1x1x125x80xi32, #tpu.memory_space<hbm>>
    %dma_wait3A_38 = tpu.memref_squeeze %dma_wait3A_37 : memref<1x1x125x80xi32, #tpu.memory_space<hbm>> -> memref<125x80xi32, #tpu.memory_space<hbm>>
    %dma_wait3A_39 = arith.constant 0 : i32
    %dma_wait3A_40 = arith.constant 0 : i32
    %dma_wait3A_41 = tpu.memref_slice %arg3[%dma_wait3A_34, %add3A, %dma_wait3A_39, %dma_wait3A_40] : memref<2x32x125x80xi32, #tpu.memory_space<hbm>> -> memref<1x1x125x80xi32, #tpu.memory_space<hbm>>
    %dma_wait3A_42 = tpu.memref_squeeze %dma_wait3A_41 : memref<1x1x125x80xi32, #tpu.memory_space<hbm>> -> memref<125x80xi32, #tpu.memory_space<hbm>>
    tpu.wait_dma2 semaphore(%arg13 : memref<!tpu.dma_semaphore, #tpu.memory_space<semaphore_mem>>) src(%dma_wait3A_42 : memref<125x80xi32, #tpu.memory_space<hbm>>) dst(%arg7 : memref<125x80xi32, #tpu.memory_space<vmem>>)
    %mul3A_43 = arith.constant 632 : i32
    %mul3A_44 = arith.muli %arg1, %mul3A_43 : i32
    %dma_wait3A_45 = arith.constant 0 : i32
    %dma_wait3A_46 = tpu.memref_slice %arg11[%mul3A_44, %dma_wait3A_45] : memref<10112x64xf32, #tpu.memory_space<vmem_shared>> -> memref<632x64xf32, #tpu.memory_space<vmem_shared>>
    tpu.wait_dma2 semaphore(%arg14 : memref<!tpu.dma_semaphore, #tpu.memory_space<semaphore_mem>>) src(%arg4 : memref<632x64xf32, #tpu.memory_space<hbm>>) dst(%dma_wait3A_46 : memref<632x64xf32, #tpu.memory_space<vmem_shared>>)
    %barrier3A = arith.constant 0 : index
    tpu.barrier barrier_id(%barrier3A)
    %dma_start3A_47 = arith.constant 0 : i32
    %dma_start3A_48 = arith.constant 0 : i32
    %dma_start3A_49 = tpu.memref_slice %arg6[%dma_start3A_47, %dma_start3A_48] : memref<125x80xi32, #tpu.memory_space<vmem>> -> memref<1x80xi32, #tpu.memory_space<vmem>>
    %dma_start3A_50 = tpu.memref_squeeze %dma_start3A_49 : memref<1x80xi32, #tpu.memory_space<vmem>> -> memref<80xi32, #tpu.memory_space<vmem>>
    %dma_start3A_51 = arith.constant 0 : i32
    %dma_start3A_52 = arith.constant 0 : i32
    %dma_start3A_53 = tpu.memref_slice %arg10[%dma_start3A_51, %dma_start3A_52] : memref<10112x64xf32, #tpu.memory_space<vmem_shared>> -> memref<10112x64xf32, #tpu.memory_space<vmem_shared>>
    tpu.enqueue_indirect_dma source(%dma_start3A_53 : memref<10112x64xf32, #tpu.memory_space<vmem_shared>>) target(%arg8 : memref<80x64xf32, #tpu.memory_space<vmem>>) offsets(%dma_start3A_50 : memref<80xi32, #tpu.memory_space<vmem>>) semaphore(%arg12 : memref<!tpu.dma_semaphore, #tpu.memory_space<semaphore_mem>>)
    %scan3A = arith.constant 0 : i32
    %scan3A_54 = arith.constant 0 : i32
    %scan3A_55 = arith.constant 62 : i32
    %scan3A_56 = arith.addi %scan3A_54, %scan3A_55 : i32
    %scan3A_57 = arith.constant 1 : i32
    scf.for %scan3A_73 = %scan3A_54 to %scan3A_56 step %scan3A_57  : i32 {
      %mul3A_74 = arith.constant 2 : i32
      %mul3A_75 = arith.muli %mul3A_74, %scan3A_73 : i32
      %add3A_76 = arith.constant 1 : i32
      %add3A_77 = arith.addi %mul3A_75, %add3A_76 : i32
      %dma_start3A_78 = arith.constant 0 : i32
      %dma_start3A_79 = tpu.memref_slice %arg6[%add3A_77, %dma_start3A_78] : memref<125x80xi32, #tpu.memory_space<vmem>> -> memref<1x80xi32, #tpu.memory_space<vmem>>
      %dma_start3A_80 = tpu.memref_squeeze %dma_start3A_79 : memref<1x80xi32, #tpu.memory_space<vmem>> -> memref<80xi32, #tpu.memory_space<vmem>>
      %dma_start3A_81 = arith.constant 0 : i32
      %dma_start3A_82 = arith.constant 0 : i32
      %dma_start3A_83 = tpu.memref_slice %arg10[%dma_start3A_81, %dma_start3A_82] : memref<10112x64xf32, #tpu.memory_space<vmem_shared>> -> memref<10112x64xf32, #tpu.memory_space<vmem_shared>>
      tpu.enqueue_indirect_dma source(%dma_start3A_83 : memref<10112x64xf32, #tpu.memory_space<vmem_shared>>) target(%arg9 : memref<80x64xf32, #tpu.memory_space<vmem>>) offsets(%dma_start3A_80 : memref<80xi32, #tpu.memory_space<vmem>>) semaphore(%arg13 : memref<!tpu.dma_semaphore, #tpu.memory_space<semaphore_mem>>)
      %dma_wait3A_84 = arith.constant 0 : i32
      %dma_wait3A_85 = arith.constant 0 : i32
      %dma_wait3A_86 = tpu.memref_slice %arg2[%dma_wait3A_84, %dma_wait3A_85] : memref<10112x64xf32, #tpu.memory_space<hbm>> -> memref<80x64xf32, #tpu.memory_space<hbm>>
      %dma_wait3A_87 = arith.constant 0 : i32
      %dma_wait3A_88 = arith.constant 0 : i32
      %dma_wait3A_89 = tpu.memref_slice %arg2[%dma_wait3A_87, %dma_wait3A_88] : memref<10112x64xf32, #tpu.memory_space<hbm>> -> memref<80x64xf32, #tpu.memory_space<hbm>>
      tpu.wait_dma2 semaphore(%arg12 : memref<!tpu.dma_semaphore, #tpu.memory_space<semaphore_mem>>) src(%dma_wait3A_89 : memref<80x64xf32, #tpu.memory_space<hbm>>) dst(%arg8 : memref<80x64xf32, #tpu.memory_space<vmem>>)
      "tpu.region"() ({
        %run_scoped3A_106 = tpu.sem_alloc : memref<!tpu.dma_semaphore, #tpu.memory_space<semaphore_mem>>
        %dma_start3A_107 = arith.constant 0 : i32
        %dma_start3A_108 = tpu.memref_slice %arg7[%mul3A_75, %dma_start3A_107] : memref<125x80xi32, #tpu.memory_space<vmem>> -> memref<1x80xi32, #tpu.memory_space<vmem>>
        %dma_start3A_109 = tpu.memref_squeeze %dma_start3A_108 : memref<1x80xi32, #tpu.memory_space<vmem>> -> memref<80xi32, #tpu.memory_space<vmem>>
        %dma_start3A_110 = arith.constant 0 : i32
        %dma_start3A_111 = arith.constant 0 : i32
        %dma_start3A_112 = tpu.memref_slice %arg11[%dma_start3A_110, %dma_start3A_111] : memref<10112x64xf32, #tpu.memory_space<vmem_shared>> -> memref<10112x64xf32, #tpu.memory_space<vmem_shared>>
        tpu.enqueue_indirect_dma source(%arg8 : memref<80x64xf32, #tpu.memory_space<vmem>>) target(%dma_start3A_112 : memref<10112x64xf32, #tpu.memory_space<vmem_shared>>) offsets(%dma_start3A_109 : memref<80xi32, #tpu.memory_space<vmem>>) semaphore(%run_scoped3A_106 : memref<!tpu.dma_semaphore, #tpu.memory_space<semaphore_mem>>) {add = true}
        %dma_wait3A_113 = arith.constant 0 : i32
        %dma_wait3A_114 = tpu.memref_slice %arg7[%mul3A_75, %dma_wait3A_113] : memref<125x80xi32, #tpu.memory_space<vmem>> -> memref<1x80xi32, #tpu.memory_space<vmem>>
        %dma_wait3A_115 = tpu.memref_squeeze %dma_wait3A_114 : memref<1x80xi32, #tpu.memory_space<vmem>> -> memref<80xi32, #tpu.memory_space<vmem>>
        %dma_wait3A_116 = arith.constant 0 : i32
        %dma_wait3A_117 = arith.constant 0 : i32
        %dma_wait3A_118 = tpu.memref_slice %arg11[%dma_wait3A_116, %dma_wait3A_117] : memref<10112x64xf32, #tpu.memory_space<vmem_shared>> -> memref<10112x64xf32, #tpu.memory_space<vmem_shared>>
        tpu.wait_indirect_dma semaphore(%run_scoped3A_106 : memref<!tpu.dma_semaphore, #tpu.memory_space<semaphore_mem>>) src(%arg8 : memref<80x64xf32, #tpu.memory_space<vmem>>) dst(%dma_wait3A_118 : memref<10112x64xf32, #tpu.memory_space<vmem_shared>>)
        tpu.yield
      }) : () -> ()
      %add3A_90 = arith.constant 2 : i32
      %add3A_91 = arith.addi %mul3A_75, %add3A_90 : i32
      %dma_start3A_92 = arith.constant 0 : i32
      %dma_start3A_93 = tpu.memref_slice %arg6[%add3A_91, %dma_start3A_92] : memref<125x80xi32, #tpu.memory_space<vmem>> -> memref<1x80xi32, #tpu.memory_space<vmem>>
      %dma_start3A_94 = tpu.memref_squeeze %dma_start3A_93 : memref<1x80xi32, #tpu.memory_space<vmem>> -> memref<80xi32, #tpu.memory_space<vmem>>
      %dma_start3A_95 = arith.constant 0 : i32
      %dma_start3A_96 = arith.constant 0 : i32
      %dma_start3A_97 = tpu.memref_slice %arg10[%dma_start3A_95, %dma_start3A_96] : memref<10112x64xf32, #tpu.memory_space<vmem_shared>> -> memref<10112x64xf32, #tpu.memory_space<vmem_shared>>
      tpu.enqueue_indirect_dma source(%dma_start3A_97 : memref<10112x64xf32, #tpu.memory_space<vmem_shared>>) target(%arg8 : memref<80x64xf32, #tpu.memory_space<vmem>>) offsets(%dma_start3A_94 : memref<80xi32, #tpu.memory_space<vmem>>) semaphore(%arg12 : memref<!tpu.dma_semaphore, #tpu.memory_space<semaphore_mem>>)
      %dma_wait3A_98 = arith.constant 0 : i32
      %dma_wait3A_99 = arith.constant 0 : i32
      %dma_wait3A_100 = tpu.memref_slice %arg2[%dma_wait3A_98, %dma_wait3A_99] : memref<10112x64xf32, #tpu.memory_space<hbm>> -> memref<80x64xf32, #tpu.memory_space<hbm>>
      %dma_wait3A_101 = arith.constant 0 : i32
      %dma_wait3A_102 = arith.constant 0 : i32
      %dma_wait3A_103 = tpu.memref_slice %arg2[%dma_wait3A_101, %dma_wait3A_102] : memref<10112x64xf32, #tpu.memory_space<hbm>> -> memref<80x64xf32, #tpu.memory_space<hbm>>
      tpu.wait_dma2 semaphore(%arg13 : memref<!tpu.dma_semaphore, #tpu.memory_space<semaphore_mem>>) src(%dma_wait3A_103 : memref<80x64xf32, #tpu.memory_space<hbm>>) dst(%arg9 : memref<80x64xf32, #tpu.memory_space<vmem>>)
      %add3A_104 = arith.constant 1 : i32
      %add3A_105 = arith.addi %mul3A_75, %add3A_104 : i32
      "tpu.region"() ({
        %run_scoped3A_106 = tpu.sem_alloc : memref<!tpu.dma_semaphore, #tpu.memory_space<semaphore_mem>>
        %dma_start3A_107 = arith.constant 0 : i32
        %dma_start3A_108 = tpu.memref_slice %arg7[%add3A_105, %dma_start3A_107] : memref<125x80xi32, #tpu.memory_space<vmem>> -> memref<1x80xi32, #tpu.memory_space<vmem>>
        %dma_start3A_109 = tpu.memref_squeeze %dma_start3A_108 : memref<1x80xi32, #tpu.memory_space<vmem>> -> memref<80xi32, #tpu.memory_space<vmem>>
        %dma_start3A_110 = arith.constant 0 : i32
        %dma_start3A_111 = arith.constant 0 : i32
        %dma_start3A_112 = tpu.memref_slice %arg11[%dma_start3A_110, %dma_start3A_111] : memref<10112x64xf32, #tpu.memory_space<vmem_shared>> -> memref<10112x64xf32, #tpu.memory_space<vmem_shared>>
        tpu.enqueue_indirect_dma source(%arg9 : memref<80x64xf32, #tpu.memory_space<vmem>>) target(%dma_start3A_112 : memref<10112x64xf32, #tpu.memory_space<vmem_shared>>) offsets(%dma_start3A_109 : memref<80xi32, #tpu.memory_space<vmem>>) semaphore(%run_scoped3A_106 : memref<!tpu.dma_semaphore, #tpu.memory_space<semaphore_mem>>) {add = true}
        %dma_wait3A_113 = arith.constant 0 : i32
        %dma_wait3A_114 = tpu.memref_slice %arg7[%add3A_105, %dma_wait3A_113] : memref<125x80xi32, #tpu.memory_space<vmem>> -> memref<1x80xi32, #tpu.memory_space<vmem>>
        %dma_wait3A_115 = tpu.memref_squeeze %dma_wait3A_114 : memref<1x80xi32, #tpu.memory_space<vmem>> -> memref<80xi32, #tpu.memory_space<vmem>>
        %dma_wait3A_116 = arith.constant 0 : i32
        %dma_wait3A_117 = arith.constant 0 : i32
        %dma_wait3A_118 = tpu.memref_slice %arg11[%dma_wait3A_116, %dma_wait3A_117] : memref<10112x64xf32, #tpu.memory_space<vmem_shared>> -> memref<10112x64xf32, #tpu.memory_space<vmem_shared>>
        tpu.wait_indirect_dma semaphore(%run_scoped3A_106 : memref<!tpu.dma_semaphore, #tpu.memory_space<semaphore_mem>>) src(%arg9 : memref<80x64xf32, #tpu.memory_space<vmem>>) dst(%dma_wait3A_118 : memref<10112x64xf32, #tpu.memory_space<vmem_shared>>)
        tpu.yield
      }) : () -> ()
    }
    %scan3A_58 = arith.constant 62 : i32
    %dma_wait3A_59 = arith.constant 0 : i32
    %dma_wait3A_60 = arith.constant 0 : i32
    %dma_wait3A_61 = tpu.memref_slice %arg2[%dma_wait3A_59, %dma_wait3A_60] : memref<10112x64xf32, #tpu.memory_space<hbm>> -> memref<80x64xf32, #tpu.memory_space<hbm>>
    %dma_wait3A_62 = arith.constant 0 : i32
    %dma_wait3A_63 = arith.constant 0 : i32
    %dma_wait3A_64 = tpu.memref_slice %arg2[%dma_wait3A_62, %dma_wait3A_63] : memref<10112x64xf32, #tpu.memory_space<hbm>> -> memref<80x64xf32, #tpu.memory_space<hbm>>
    tpu.wait_dma2 semaphore(%arg12 : memref<!tpu.dma_semaphore, #tpu.memory_space<semaphore_mem>>) src(%dma_wait3A_64 : memref<80x64xf32, #tpu.memory_space<hbm>>) dst(%arg8 : memref<80x64xf32, #tpu.memory_space<vmem>>)
    %run_scoped3A = arith.constant 124 : i32
    "tpu.region"() ({
      %run_scoped3A_73 = tpu.sem_alloc : memref<!tpu.dma_semaphore, #tpu.memory_space<semaphore_mem>>
      %dma_start3A_74 = arith.constant 0 : i32
      %dma_start3A_75 = tpu.memref_slice %arg7[%run_scoped3A, %dma_start3A_74] : memref<125x80xi32, #tpu.memory_space<vmem>> -> memref<1x80xi32, #tpu.memory_space<vmem>>
      %dma_start3A_76 = tpu.memref_squeeze %dma_start3A_75 : memref<1x80xi32, #tpu.memory_space<vmem>> -> memref<80xi32, #tpu.memory_space<vmem>>
      %dma_start3A_77 = arith.constant 0 : i32
      %dma_start3A_78 = arith.constant 0 : i32
      %dma_start3A_79 = tpu.memref_slice %arg11[%dma_start3A_77, %dma_start3A_78] : memref<10112x64xf32, #tpu.memory_space<vmem_shared>> -> memref<10112x64xf32, #tpu.memory_space<vmem_shared>>
      tpu.enqueue_indirect_dma source(%arg8 : memref<80x64xf32, #tpu.memory_space<vmem>>) target(%dma_start3A_79 : memref<10112x64xf32, #tpu.memory_space<vmem_shared>>) offsets(%dma_start3A_76 : memref<80xi32, #tpu.memory_space<vmem>>) semaphore(%run_scoped3A_73 : memref<!tpu.dma_semaphore, #tpu.memory_space<semaphore_mem>>) {add = true}
      %dma_wait3A_80 = arith.constant 0 : i32
      %dma_wait3A_81 = tpu.memref_slice %arg7[%run_scoped3A, %dma_wait3A_80] : memref<125x80xi32, #tpu.memory_space<vmem>> -> memref<1x80xi32, #tpu.memory_space<vmem>>
      %dma_wait3A_82 = tpu.memref_squeeze %dma_wait3A_81 : memref<1x80xi32, #tpu.memory_space<vmem>> -> memref<80xi32, #tpu.memory_space<vmem>>
      %dma_wait3A_83 = arith.constant 0 : i32
      %dma_wait3A_84 = arith.constant 0 : i32
      %dma_wait3A_85 = tpu.memref_slice %arg11[%dma_wait3A_83, %dma_wait3A_84] : memref<10112x64xf32, #tpu.memory_space<vmem_shared>> -> memref<10112x64xf32, #tpu.memory_space<vmem_shared>>
      tpu.wait_indirect_dma semaphore(%run_scoped3A_73 : memref<!tpu.dma_semaphore, #tpu.memory_space<semaphore_mem>>) src(%arg8 : memref<80x64xf32, #tpu.memory_space<vmem>>) dst(%dma_wait3A_85 : memref<10112x64xf32, #tpu.memory_space<vmem_shared>>)
      tpu.yield
    }) : () -> ()
    %barrier3A_65 = arith.constant 0 : index
    tpu.barrier barrier_id(%barrier3A_65)
    %mul3A_66 = arith.constant 632 : i32
    %mul3A_67 = arith.muli %arg1, %mul3A_66 : i32
    %mul3A_68 = arith.constant 10112 : i32
    %mul3A_69 = arith.muli %arg0, %mul3A_68 : i32
    %mul3A_70 = arith.constant 632 : i32
    %mul3A_71 = arith.muli %arg1, %mul3A_70 : i32
    %add3A_72 = arith.addi %mul3A_69, %mul3A_71 : i32
    "tpu.region"() ({
      %run_scoped3A_73 = tpu.sem_alloc : memref<!tpu.dma_semaphore, #tpu.memory_space<semaphore_mem>>
      %dma_start3A_74 = arith.constant 0 : i32
      %dma_start3A_75 = tpu.memref_slice %arg5[%add3A_72, %dma_start3A_74] : memref<20224x64xf32, #tpu.memory_space<hbm>> -> memref<632x64xf32, #tpu.memory_space<hbm>>
      %dma_start3A_76 = arith.constant 0 : i32
      %dma_start3A_77 = tpu.memref_slice %arg11[%mul3A_67, %dma_start3A_76] : memref<10112x64xf32, #tpu.memory_space<vmem_shared>> -> memref<632x64xf32, #tpu.memory_space<vmem_shared>>
      tpu.enqueue_dma source(%dma_start3A_77 : memref<632x64xf32, #tpu.memory_space<vmem_shared>>) target(%dma_start3A_75 : memref<632x64xf32, #tpu.memory_space<hbm>>) target_semaphore(%run_scoped3A_73 : memref<!tpu.dma_semaphore, #tpu.memory_space<semaphore_mem>>)
      %dma_wait3A_78 = arith.constant 0 : i32
      %dma_wait3A_79 = tpu.memref_slice %arg5[%add3A_72, %dma_wait3A_78] : memref<20224x64xf32, #tpu.memory_space<hbm>> -> memref<632x64xf32, #tpu.memory_space<hbm>>
      %dma_wait3A_80 = arith.constant 0 : i32
      %dma_wait3A_81 = tpu.memref_slice %arg11[%mul3A_67, %dma_wait3A_80] : memref<10112x64xf32, #tpu.memory_space<vmem_shared>> -> memref<632x64xf32, #tpu.memory_space<vmem_shared>>
      tpu.wait_dma2 semaphore(%run_scoped3A_73 : memref<!tpu.dma_semaphore, #tpu.memory_space<semaphore_mem>>) src(%dma_wait3A_81 : memref<632x64xf32, #tpu.memory_space<vmem_shared>>) dst(%dma_wait3A_79 : memref<632x64xf32, #tpu.memory_space<hbm>>)
      tpu.yield
    }) : () -> ()
    return
  }
}

#map = affine_map<(d0, d1) -> (0, 0)>
#map1 = affine_map<(d0, d1) -> (0, 0, 0, 0)>
module attributes {stable_mosaic.version = 14 : i64} {
  func.func @_sc_segsum_body(%arg0: i32, %arg1: i32, %arg2: memref<10112x64xf32, #tpu.memory_space<hbm>>, %arg3: memref<2x32x125x80xi32, #tpu.memory_space<hbm>>, %arg4: memref<632x64xf32, #tpu.memory_space<hbm>>, %arg5: memref<20224x64xf32, #tpu.memory_space<hbm>>, %arg6: memref<125x80xi32, #tpu.memory_space<vmem>>, %arg7: memref<125x80xi32, #tpu.memory_space<vmem>>, %arg8: memref<80x64xf32, #tpu.memory_space<vmem>>, %arg9: memref<80x64xf32, #tpu.memory_space<vmem>>, %arg10: memref<10112x64xf32, #tpu.memory_space<vmem_shared>>, %arg11: memref<10112x64xf32, #tpu.memory_space<vmem_shared>>, %arg12: memref<!tpu.dma_semaphore, #tpu.memory_space<semaphore_mem>>, %arg13: memref<!tpu.dma_semaphore, #tpu.memory_space<semaphore_mem>>, %arg14: memref<!tpu.dma_semaphore, #tpu.memory_space<semaphore_mem>>) attributes {dimension_semantics = [#tpu.dimension_semantics<core_parallel>, #tpu.dimension_semantics<subcore_parallel>], iteration_bounds = array<i64: 2, 16>, scalar_prefetch = 0 : i64, scratch_operands = 9 : i64, tpu.core_type = #tpu.core_type<sc_vector_subcore>, window_params = [{transform_indices = #map}, {transform_indices = #map1}, {transform_indices = #map}, {transform_indices = #map}]} {
    %mul3A = arith.constant 16 : i32
    %mul3A_0 = arith.muli %arg0, %mul3A : i32
    %add3A = arith.addi %mul3A_0, %arg1 : i32
    %dma_start3A = arith.constant 0 : i32
    %dma_start3A_1 = arith.constant 0 : i32
    %dma_start3A_2 = arith.constant 0 : i32
    %dma_start3A_3 = tpu.memref_slice %arg3[%dma_start3A, %add3A, %dma_start3A_1, %dma_start3A_2] : memref<2x32x125x80xi32, #tpu.memory_space<hbm>> -> memref<1x1x125x80xi32, #tpu.memory_space<hbm>>
    %dma_start3A_4 = tpu.memref_squeeze %dma_start3A_3 : memref<1x1x125x80xi32, #tpu.memory_space<hbm>> -> memref<125x80xi32, #tpu.memory_space<hbm>>
    %dma_start3A_5 = arith.constant 0 : i32
    %dma_start3A_6 = arith.constant 0 : i32
    %dma_start3A_7 = tpu.memref_slice %arg3[%dma_start3A, %add3A, %dma_start3A_5, %dma_start3A_6] : memref<2x32x125x80xi32, #tpu.memory_space<hbm>> -> memref<1x1x125x80xi32, #tpu.memory_space<hbm>>
    %dma_start3A_8 = tpu.memref_squeeze %dma_start3A_7 : memref<1x1x125x80xi32, #tpu.memory_space<hbm>> -> memref<125x80xi32, #tpu.memory_space<hbm>>
    tpu.enqueue_dma source(%dma_start3A_8 : memref<125x80xi32, #tpu.memory_space<hbm>>) target(%arg6 : memref<125x80xi32, #tpu.memory_space<vmem>>) target_semaphore(%arg12 : memref<!tpu.dma_semaphore, #tpu.memory_space<semaphore_mem>>)
    %dma_start3A_9 = arith.constant 1 : i32
    %dma_start3A_10 = arith.constant 0 : i32
    %dma_start3A_11 = arith.constant 0 : i32
    %dma_start3A_12 = tpu.memref_slice %arg3[%dma_start3A_9, %add3A, %dma_start3A_10, %dma_start3A_11] : memref<2x32x125x80xi32, #tpu.memory_space<hbm>> -> memref<1x1x125x80xi32, #tpu.memory_space<hbm>>
    %dma_start3A_13 = tpu.memref_squeeze %dma_start3A_12 : memref<1x1x125x80xi32, #tpu.memory_space<hbm>> -> memref<125x80xi32, #tpu.memory_space<hbm>>
    %dma_start3A_14 = arith.constant 0 : i32
    %dma_start3A_15 = arith.constant 0 : i32
    %dma_start3A_16 = tpu.memref_slice %arg3[%dma_start3A_9, %add3A, %dma_start3A_14, %dma_start3A_15] : memref<2x32x125x80xi32, #tpu.memory_space<hbm>> -> memref<1x1x125x80xi32, #tpu.memory_space<hbm>>
    %dma_start3A_17 = tpu.memref_squeeze %dma_start3A_16 : memref<1x1x125x80xi32, #tpu.memory_space<hbm>> -> memref<125x80xi32, #tpu.memory_space<hbm>>
    tpu.enqueue_dma source(%dma_start3A_17 : memref<125x80xi32, #tpu.memory_space<hbm>>) target(%arg7 : memref<125x80xi32, #tpu.memory_space<vmem>>) target_semaphore(%arg13 : memref<!tpu.dma_semaphore, #tpu.memory_space<semaphore_mem>>)
    %mul3A_18 = arith.constant 632 : i32
    %mul3A_19 = arith.muli %arg1, %mul3A_18 : i32
    %dma_start3A_20 = arith.constant 0 : i32
    %dma_start3A_21 = tpu.memref_slice %arg11[%mul3A_19, %dma_start3A_20] : memref<10112x64xf32, #tpu.memory_space<vmem_shared>> -> memref<632x64xf32, #tpu.memory_space<vmem_shared>>
    tpu.enqueue_dma source(%arg4 : memref<632x64xf32, #tpu.memory_space<hbm>>) target(%dma_start3A_21 : memref<632x64xf32, #tpu.memory_space<vmem_shared>>) target_semaphore(%arg14 : memref<!tpu.dma_semaphore, #tpu.memory_space<semaphore_mem>>)
    %mul3A_22 = arith.constant 632 : i32
    %mul3A_23 = arith.muli %arg1, %mul3A_22 : i32
    %mul3A_24 = arith.constant 632 : i32
    %mul3A_25 = arith.muli %arg1, %mul3A_24 : i32
    "tpu.region"() ({
      %run_scoped3A_73 = tpu.sem_alloc : memref<!tpu.dma_semaphore, #tpu.memory_space<semaphore_mem>>
      %dma_start3A_74 = arith.constant 0 : i32
      %dma_start3A_75 = tpu.memref_slice %arg10[%mul3A_25, %dma_start3A_74] : memref<10112x64xf32, #tpu.memory_space<vmem_shared>> -> memref<632x64xf32, #tpu.memory_space<vmem_shared>>
      %dma_start3A_76 = arith.constant 0 : i32
      %dma_start3A_77 = tpu.memref_slice %arg2[%mul3A_23, %dma_start3A_76] : memref<10112x64xf32, #tpu.memory_space<hbm>> -> memref<632x64xf32, #tpu.memory_space<hbm>>
      tpu.enqueue_dma source(%dma_start3A_77 : memref<632x64xf32, #tpu.memory_space<hbm>>) target(%dma_start3A_75 : memref<632x64xf32, #tpu.memory_space<vmem_shared>>) target_semaphore(%run_scoped3A_73 : memref<!tpu.dma_semaphore, #tpu.memory_space<semaphore_mem>>)
      %dma_wait3A_78 = arith.constant 0 : i32
      %dma_wait3A_79 = tpu.memref_slice %arg10[%mul3A_25, %dma_wait3A_78] : memref<10112x64xf32, #tpu.memory_space<vmem_shared>> -> memref<632x64xf32, #tpu.memory_space<vmem_shared>>
      %dma_wait3A_80 = arith.constant 0 : i32
      %dma_wait3A_81 = tpu.memref_slice %arg2[%mul3A_23, %dma_wait3A_80] : memref<10112x64xf32, #tpu.memory_space<hbm>> -> memref<632x64xf32, #tpu.memory_space<hbm>>
      tpu.wait_dma2 semaphore(%run_scoped3A_73 : memref<!tpu.dma_semaphore, #tpu.memory_space<semaphore_mem>>) src(%dma_wait3A_81 : memref<632x64xf32, #tpu.memory_space<hbm>>) dst(%dma_wait3A_79 : memref<632x64xf32, #tpu.memory_space<vmem_shared>>)
      tpu.yield
    }) : () -> ()
    %dma_wait3A = arith.constant 0 : i32
    %dma_wait3A_26 = arith.constant 0 : i32
    %dma_wait3A_27 = arith.constant 0 : i32
    %dma_wait3A_28 = tpu.memref_slice %arg3[%dma_wait3A, %add3A, %dma_wait3A_26, %dma_wait3A_27] : memref<2x32x125x80xi32, #tpu.memory_space<hbm>> -> memref<1x1x125x80xi32, #tpu.memory_space<hbm>>
    %dma_wait3A_29 = tpu.memref_squeeze %dma_wait3A_28 : memref<1x1x125x80xi32, #tpu.memory_space<hbm>> -> memref<125x80xi32, #tpu.memory_space<hbm>>
    %dma_wait3A_30 = arith.constant 0 : i32
    %dma_wait3A_31 = arith.constant 0 : i32
    %dma_wait3A_32 = tpu.memref_slice %arg3[%dma_wait3A, %add3A, %dma_wait3A_30, %dma_wait3A_31] : memref<2x32x125x80xi32, #tpu.memory_space<hbm>> -> memref<1x1x125x80xi32, #tpu.memory_space<hbm>>
    %dma_wait3A_33 = tpu.memref_squeeze %dma_wait3A_32 : memref<1x1x125x80xi32, #tpu.memory_space<hbm>> -> memref<125x80xi32, #tpu.memory_space<hbm>>
    tpu.wait_dma2 semaphore(%arg12 : memref<!tpu.dma_semaphore, #tpu.memory_space<semaphore_mem>>) src(%dma_wait3A_33 : memref<125x80xi32, #tpu.memory_space<hbm>>) dst(%arg6 : memref<125x80xi32, #tpu.memory_space<vmem>>)
    %dma_wait3A_34 = arith.constant 1 : i32
    %dma_wait3A_35 = arith.constant 0 : i32
    %dma_wait3A_36 = arith.constant 0 : i32
    %dma_wait3A_37 = tpu.memref_slice %arg3[%dma_wait3A_34, %add3A, %dma_wait3A_35, %dma_wait3A_36] : memref<2x32x125x80xi32, #tpu.memory_space<hbm>> -> memref<1x1x125x80xi32, #tpu.memory_space<hbm>>
    %dma_wait3A_38 = tpu.memref_squeeze %dma_wait3A_37 : memref<1x1x125x80xi32, #tpu.memory_space<hbm>> -> memref<125x80xi32, #tpu.memory_space<hbm>>
    %dma_wait3A_39 = arith.constant 0 : i32
    %dma_wait3A_40 = arith.constant 0 : i32
    %dma_wait3A_41 = tpu.memref_slice %arg3[%dma_wait3A_34, %add3A, %dma_wait3A_39, %dma_wait3A_40] : memref<2x32x125x80xi32, #tpu.memory_space<hbm>> -> memref<1x1x125x80xi32, #tpu.memory_space<hbm>>
    %dma_wait3A_42 = tpu.memref_squeeze %dma_wait3A_41 : memref<1x1x125x80xi32, #tpu.memory_space<hbm>> -> memref<125x80xi32, #tpu.memory_space<hbm>>
    tpu.wait_dma2 semaphore(%arg13 : memref<!tpu.dma_semaphore, #tpu.memory_space<semaphore_mem>>) src(%dma_wait3A_42 : memref<125x80xi32, #tpu.memory_space<hbm>>) dst(%arg7 : memref<125x80xi32, #tpu.memory_space<vmem>>)
    %mul3A_43 = arith.constant 632 : i32
    %mul3A_44 = arith.muli %arg1, %mul3A_43 : i32
    %dma_wait3A_45 = arith.constant 0 : i32
    %dma_wait3A_46 = tpu.memref_slice %arg11[%mul3A_44, %dma_wait3A_45] : memref<10112x64xf32, #tpu.memory_space<vmem_shared>> -> memref<632x64xf32, #tpu.memory_space<vmem_shared>>
    tpu.wait_dma2 semaphore(%arg14 : memref<!tpu.dma_semaphore, #tpu.memory_space<semaphore_mem>>) src(%arg4 : memref<632x64xf32, #tpu.memory_space<hbm>>) dst(%dma_wait3A_46 : memref<632x64xf32, #tpu.memory_space<vmem_shared>>)
    %barrier3A = arith.constant 0 : index
    tpu.barrier barrier_id(%barrier3A)
    %dma_start3A_47 = arith.constant 0 : i32
    %dma_start3A_48 = arith.constant 0 : i32
    %dma_start3A_49 = tpu.memref_slice %arg6[%dma_start3A_47, %dma_start3A_48] : memref<125x80xi32, #tpu.memory_space<vmem>> -> memref<1x80xi32, #tpu.memory_space<vmem>>
    %dma_start3A_50 = tpu.memref_squeeze %dma_start3A_49 : memref<1x80xi32, #tpu.memory_space<vmem>> -> memref<80xi32, #tpu.memory_space<vmem>>
    %dma_start3A_51 = arith.constant 0 : i32
    %dma_start3A_52 = arith.constant 0 : i32
    %dma_start3A_53 = tpu.memref_slice %arg10[%dma_start3A_51, %dma_start3A_52] : memref<10112x64xf32, #tpu.memory_space<vmem_shared>> -> memref<10112x64xf32, #tpu.memory_space<vmem_shared>>
    tpu.enqueue_indirect_dma source(%dma_start3A_53 : memref<10112x64xf32, #tpu.memory_space<vmem_shared>>) target(%arg8 : memref<80x64xf32, #tpu.memory_space<vmem>>) offsets(%dma_start3A_50 : memref<80xi32, #tpu.memory_space<vmem>>) semaphore(%arg12 : memref<!tpu.dma_semaphore, #tpu.memory_space<semaphore_mem>>)
    %scan3A = arith.constant 0 : i32
    %scan3A_54 = arith.constant 0 : i32
    %scan3A_55 = arith.constant 62 : i32
    %scan3A_56 = arith.addi %scan3A_54, %scan3A_55 : i32
    %scan3A_57 = arith.constant 1 : i32
    scf.for %scan3A_73 = %scan3A_54 to %scan3A_56 step %scan3A_57  : i32 {
      %mul3A_74 = arith.constant 2 : i32
      %mul3A_75 = arith.muli %mul3A_74, %scan3A_73 : i32
      %add3A_76 = arith.constant 1 : i32
      %add3A_77 = arith.addi %mul3A_75, %add3A_76 : i32
      %dma_start3A_78 = arith.constant 0 : i32
      %dma_start3A_79 = tpu.memref_slice %arg6[%add3A_77, %dma_start3A_78] : memref<125x80xi32, #tpu.memory_space<vmem>> -> memref<1x80xi32, #tpu.memory_space<vmem>>
      %dma_start3A_80 = tpu.memref_squeeze %dma_start3A_79 : memref<1x80xi32, #tpu.memory_space<vmem>> -> memref<80xi32, #tpu.memory_space<vmem>>
      %dma_start3A_81 = arith.constant 0 : i32
      %dma_start3A_82 = arith.constant 0 : i32
      %dma_start3A_83 = tpu.memref_slice %arg10[%dma_start3A_81, %dma_start3A_82] : memref<10112x64xf32, #tpu.memory_space<vmem_shared>> -> memref<10112x64xf32, #tpu.memory_space<vmem_shared>>
      tpu.enqueue_indirect_dma source(%dma_start3A_83 : memref<10112x64xf32, #tpu.memory_space<vmem_shared>>) target(%arg9 : memref<80x64xf32, #tpu.memory_space<vmem>>) offsets(%dma_start3A_80 : memref<80xi32, #tpu.memory_space<vmem>>) semaphore(%arg13 : memref<!tpu.dma_semaphore, #tpu.memory_space<semaphore_mem>>)
      %dma_wait3A_84 = arith.constant 0 : i32
      %dma_wait3A_85 = arith.constant 0 : i32
      %dma_wait3A_86 = tpu.memref_slice %arg2[%dma_wait3A_84, %dma_wait3A_85] : memref<10112x64xf32, #tpu.memory_space<hbm>> -> memref<80x64xf32, #tpu.memory_space<hbm>>
      %dma_wait3A_87 = arith.constant 0 : i32
      %dma_wait3A_88 = arith.constant 0 : i32
      %dma_wait3A_89 = tpu.memref_slice %arg2[%dma_wait3A_87, %dma_wait3A_88] : memref<10112x64xf32, #tpu.memory_space<hbm>> -> memref<80x64xf32, #tpu.memory_space<hbm>>
      tpu.wait_dma2 semaphore(%arg12 : memref<!tpu.dma_semaphore, #tpu.memory_space<semaphore_mem>>) src(%dma_wait3A_89 : memref<80x64xf32, #tpu.memory_space<hbm>>) dst(%arg8 : memref<80x64xf32, #tpu.memory_space<vmem>>)
      "tpu.region"() ({
        %run_scoped3A_106 = tpu.sem_alloc : memref<!tpu.dma_semaphore, #tpu.memory_space<semaphore_mem>>
        %dma_start3A_107 = arith.constant 0 : i32
        %dma_start3A_108 = tpu.memref_slice %arg7[%mul3A_75, %dma_start3A_107] : memref<125x80xi32, #tpu.memory_space<vmem>> -> memref<1x80xi32, #tpu.memory_space<vmem>>
        %dma_start3A_109 = tpu.memref_squeeze %dma_start3A_108 : memref<1x80xi32, #tpu.memory_space<vmem>> -> memref<80xi32, #tpu.memory_space<vmem>>
        %dma_start3A_110 = arith.constant 0 : i32
        %dma_start3A_111 = arith.constant 0 : i32
        %dma_start3A_112 = tpu.memref_slice %arg11[%dma_start3A_110, %dma_start3A_111] : memref<10112x64xf32, #tpu.memory_space<vmem_shared>> -> memref<10112x64xf32, #tpu.memory_space<vmem_shared>>
        tpu.enqueue_indirect_dma source(%arg8 : memref<80x64xf32, #tpu.memory_space<vmem>>) target(%dma_start3A_112 : memref<10112x64xf32, #tpu.memory_space<vmem_shared>>) offsets(%dma_start3A_109 : memref<80xi32, #tpu.memory_space<vmem>>) semaphore(%run_scoped3A_106 : memref<!tpu.dma_semaphore, #tpu.memory_space<semaphore_mem>>) {add = true}
        %dma_wait3A_113 = arith.constant 0 : i32
        %dma_wait3A_114 = tpu.memref_slice %arg7[%mul3A_75, %dma_wait3A_113] : memref<125x80xi32, #tpu.memory_space<vmem>> -> memref<1x80xi32, #tpu.memory_space<vmem>>
        %dma_wait3A_115 = tpu.memref_squeeze %dma_wait3A_114 : memref<1x80xi32, #tpu.memory_space<vmem>> -> memref<80xi32, #tpu.memory_space<vmem>>
        %dma_wait3A_116 = arith.constant 0 : i32
        %dma_wait3A_117 = arith.constant 0 : i32
        %dma_wait3A_118 = tpu.memref_slice %arg11[%dma_wait3A_116, %dma_wait3A_117] : memref<10112x64xf32, #tpu.memory_space<vmem_shared>> -> memref<10112x64xf32, #tpu.memory_space<vmem_shared>>
        tpu.wait_indirect_dma semaphore(%run_scoped3A_106 : memref<!tpu.dma_semaphore, #tpu.memory_space<semaphore_mem>>) src(%arg8 : memref<80x64xf32, #tpu.memory_space<vmem>>) dst(%dma_wait3A_118 : memref<10112x64xf32, #tpu.memory_space<vmem_shared>>)
        tpu.yield
      }) : () -> ()
      %add3A_90 = arith.constant 2 : i32
      %add3A_91 = arith.addi %mul3A_75, %add3A_90 : i32
      %dma_start3A_92 = arith.constant 0 : i32
      %dma_start3A_93 = tpu.memref_slice %arg6[%add3A_91, %dma_start3A_92] : memref<125x80xi32, #tpu.memory_space<vmem>> -> memref<1x80xi32, #tpu.memory_space<vmem>>
      %dma_start3A_94 = tpu.memref_squeeze %dma_start3A_93 : memref<1x80xi32, #tpu.memory_space<vmem>> -> memref<80xi32, #tpu.memory_space<vmem>>
      %dma_start3A_95 = arith.constant 0 : i32
      %dma_start3A_96 = arith.constant 0 : i32
      %dma_start3A_97 = tpu.memref_slice %arg10[%dma_start3A_95, %dma_start3A_96] : memref<10112x64xf32, #tpu.memory_space<vmem_shared>> -> memref<10112x64xf32, #tpu.memory_space<vmem_shared>>
      tpu.enqueue_indirect_dma source(%dma_start3A_97 : memref<10112x64xf32, #tpu.memory_space<vmem_shared>>) target(%arg8 : memref<80x64xf32, #tpu.memory_space<vmem>>) offsets(%dma_start3A_94 : memref<80xi32, #tpu.memory_space<vmem>>) semaphore(%arg12 : memref<!tpu.dma_semaphore, #tpu.memory_space<semaphore_mem>>)
      %dma_wait3A_98 = arith.constant 0 : i32
      %dma_wait3A_99 = arith.constant 0 : i32
      %dma_wait3A_100 = tpu.memref_slice %arg2[%dma_wait3A_98, %dma_wait3A_99] : memref<10112x64xf32, #tpu.memory_space<hbm>> -> memref<80x64xf32, #tpu.memory_space<hbm>>
      %dma_wait3A_101 = arith.constant 0 : i32
      %dma_wait3A_102 = arith.constant 0 : i32
      %dma_wait3A_103 = tpu.memref_slice %arg2[%dma_wait3A_101, %dma_wait3A_102] : memref<10112x64xf32, #tpu.memory_space<hbm>> -> memref<80x64xf32, #tpu.memory_space<hbm>>
      tpu.wait_dma2 semaphore(%arg13 : memref<!tpu.dma_semaphore, #tpu.memory_space<semaphore_mem>>) src(%dma_wait3A_103 : memref<80x64xf32, #tpu.memory_space<hbm>>) dst(%arg9 : memref<80x64xf32, #tpu.memory_space<vmem>>)
      %add3A_104 = arith.constant 1 : i32
      %add3A_105 = arith.addi %mul3A_75, %add3A_104 : i32
      "tpu.region"() ({
        %run_scoped3A_106 = tpu.sem_alloc : memref<!tpu.dma_semaphore, #tpu.memory_space<semaphore_mem>>
        %dma_start3A_107 = arith.constant 0 : i32
        %dma_start3A_108 = tpu.memref_slice %arg7[%add3A_105, %dma_start3A_107] : memref<125x80xi32, #tpu.memory_space<vmem>> -> memref<1x80xi32, #tpu.memory_space<vmem>>
        %dma_start3A_109 = tpu.memref_squeeze %dma_start3A_108 : memref<1x80xi32, #tpu.memory_space<vmem>> -> memref<80xi32, #tpu.memory_space<vmem>>
        %dma_start3A_110 = arith.constant 0 : i32
        %dma_start3A_111 = arith.constant 0 : i32
        %dma_start3A_112 = tpu.memref_slice %arg11[%dma_start3A_110, %dma_start3A_111] : memref<10112x64xf32, #tpu.memory_space<vmem_shared>> -> memref<10112x64xf32, #tpu.memory_space<vmem_shared>>
        tpu.enqueue_indirect_dma source(%arg9 : memref<80x64xf32, #tpu.memory_space<vmem>>) target(%dma_start3A_112 : memref<10112x64xf32, #tpu.memory_space<vmem_shared>>) offsets(%dma_start3A_109 : memref<80xi32, #tpu.memory_space<vmem>>) semaphore(%run_scoped3A_106 : memref<!tpu.dma_semaphore, #tpu.memory_space<semaphore_mem>>) {add = true}
        %dma_wait3A_113 = arith.constant 0 : i32
        %dma_wait3A_114 = tpu.memref_slice %arg7[%add3A_105, %dma_wait3A_113] : memref<125x80xi32, #tpu.memory_space<vmem>> -> memref<1x80xi32, #tpu.memory_space<vmem>>
        %dma_wait3A_115 = tpu.memref_squeeze %dma_wait3A_114 : memref<1x80xi32, #tpu.memory_space<vmem>> -> memref<80xi32, #tpu.memory_space<vmem>>
        %dma_wait3A_116 = arith.constant 0 : i32
        %dma_wait3A_117 = arith.constant 0 : i32
        %dma_wait3A_118 = tpu.memref_slice %arg11[%dma_wait3A_116, %dma_wait3A_117] : memref<10112x64xf32, #tpu.memory_space<vmem_shared>> -> memref<10112x64xf32, #tpu.memory_space<vmem_shared>>
        tpu.wait_indirect_dma semaphore(%run_scoped3A_106 : memref<!tpu.dma_semaphore, #tpu.memory_space<semaphore_mem>>) src(%arg9 : memref<80x64xf32, #tpu.memory_space<vmem>>) dst(%dma_wait3A_118 : memref<10112x64xf32, #tpu.memory_space<vmem_shared>>)
        tpu.yield
      }) : () -> ()
    }
    %scan3A_58 = arith.constant 62 : i32
    %dma_wait3A_59 = arith.constant 0 : i32
    %dma_wait3A_60 = arith.constant 0 : i32
    %dma_wait3A_61 = tpu.memref_slice %arg2[%dma_wait3A_59, %dma_wait3A_60] : memref<10112x64xf32, #tpu.memory_space<hbm>> -> memref<80x64xf32, #tpu.memory_space<hbm>>
    %dma_wait3A_62 = arith.constant 0 : i32
    %dma_wait3A_63 = arith.constant 0 : i32
    %dma_wait3A_64 = tpu.memref_slice %arg2[%dma_wait3A_62, %dma_wait3A_63] : memref<10112x64xf32, #tpu.memory_space<hbm>> -> memref<80x64xf32, #tpu.memory_space<hbm>>
    tpu.wait_dma2 semaphore(%arg12 : memref<!tpu.dma_semaphore, #tpu.memory_space<semaphore_mem>>) src(%dma_wait3A_64 : memref<80x64xf32, #tpu.memory_space<hbm>>) dst(%arg8 : memref<80x64xf32, #tpu.memory_space<vmem>>)
    %run_scoped3A = arith.constant 124 : i32
    "tpu.region"() ({
      %run_scoped3A_73 = tpu.sem_alloc : memref<!tpu.dma_semaphore, #tpu.memory_space<semaphore_mem>>
      %dma_start3A_74 = arith.constant 0 : i32
      %dma_start3A_75 = tpu.memref_slice %arg7[%run_scoped3A, %dma_start3A_74] : memref<125x80xi32, #tpu.memory_space<vmem>> -> memref<1x80xi32, #tpu.memory_space<vmem>>
      %dma_start3A_76 = tpu.memref_squeeze %dma_start3A_75 : memref<1x80xi32, #tpu.memory_space<vmem>> -> memref<80xi32, #tpu.memory_space<vmem>>
      %dma_start3A_77 = arith.constant 0 : i32
      %dma_start3A_78 = arith.constant 0 : i32
      %dma_start3A_79 = tpu.memref_slice %arg11[%dma_start3A_77, %dma_start3A_78] : memref<10112x64xf32, #tpu.memory_space<vmem_shared>> -> memref<10112x64xf32, #tpu.memory_space<vmem_shared>>
      tpu.enqueue_indirect_dma source(%arg8 : memref<80x64xf32, #tpu.memory_space<vmem>>) target(%dma_start3A_79 : memref<10112x64xf32, #tpu.memory_space<vmem_shared>>) offsets(%dma_start3A_76 : memref<80xi32, #tpu.memory_space<vmem>>) semaphore(%run_scoped3A_73 : memref<!tpu.dma_semaphore, #tpu.memory_space<semaphore_mem>>) {add = true}
      %dma_wait3A_80 = arith.constant 0 : i32
      %dma_wait3A_81 = tpu.memref_slice %arg7[%run_scoped3A, %dma_wait3A_80] : memref<125x80xi32, #tpu.memory_space<vmem>> -> memref<1x80xi32, #tpu.memory_space<vmem>>
      %dma_wait3A_82 = tpu.memref_squeeze %dma_wait3A_81 : memref<1x80xi32, #tpu.memory_space<vmem>> -> memref<80xi32, #tpu.memory_space<vmem>>
      %dma_wait3A_83 = arith.constant 0 : i32
      %dma_wait3A_84 = arith.constant 0 : i32
      %dma_wait3A_85 = tpu.memref_slice %arg11[%dma_wait3A_83, %dma_wait3A_84] : memref<10112x64xf32, #tpu.memory_space<vmem_shared>> -> memref<10112x64xf32, #tpu.memory_space<vmem_shared>>
      tpu.wait_indirect_dma semaphore(%run_scoped3A_73 : memref<!tpu.dma_semaphore, #tpu.memory_space<semaphore_mem>>) src(%arg8 : memref<80x64xf32, #tpu.memory_space<vmem>>) dst(%dma_wait3A_85 : memref<10112x64xf32, #tpu.memory_space<vmem_shared>>)
      tpu.yield
    }) : () -> ()
    %barrier3A_65 = arith.constant 0 : index
    tpu.barrier barrier_id(%barrier3A_65)
    %mul3A_66 = arith.constant 632 : i32
    %mul3A_67 = arith.muli %arg1, %mul3A_66 : i32
    %mul3A_68 = arith.constant 10112 : i32
    %mul3A_69 = arith.muli %arg0, %mul3A_68 : i32
    %mul3A_70 = arith.constant 632 : i32
    %mul3A_71 = arith.muli %arg1, %mul3A_70 : i32
    %add3A_72 = arith.addi %mul3A_69, %mul3A_71 : i32
    "tpu.region"() ({
      %run_scoped3A_73 = tpu.sem_alloc : memref<!tpu.dma_semaphore, #tpu.memory_space<semaphore_mem>>
      %dma_start3A_74 = arith.constant 0 : i32
      %dma_start3A_75 = tpu.memref_slice %arg5[%add3A_72, %dma_start3A_74] : memref<20224x64xf32, #tpu.memory_space<hbm>> -> memref<632x64xf32, #tpu.memory_space<hbm>>
      %dma_start3A_76 = arith.constant 0 : i32
      %dma_start3A_77 = tpu.memref_slice %arg11[%mul3A_67, %dma_start3A_76] : memref<10112x64xf32, #tpu.memory_space<vmem_shared>> -> memref<632x64xf32, #tpu.memory_space<vmem_shared>>
      tpu.enqueue_dma source(%dma_start3A_77 : memref<632x64xf32, #tpu.memory_space<vmem_shared>>) target(%dma_start3A_75 : memref<632x64xf32, #tpu.memory_space<hbm>>) target_semaphore(%run_scoped3A_73 : memref<!tpu.dma_semaphore, #tpu.memory_space<semaphore_mem>>)
      %dma_wait3A_78 = arith.constant 0 : i32
      %dma_wait3A_79 = tpu.memref_slice %arg5[%add3A_72, %dma_wait3A_78] : memref<20224x64xf32, #tpu.memory_space<hbm>> -> memref<632x64xf32, #tpu.memory_space<hbm>>
      %dma_wait3A_80 = arith.constant 0 : i32
      %dma_wait3A_81 = tpu.memref_slice %arg11[%mul3A_67, %dma_wait3A_80] : memref<10112x64xf32, #tpu.memory_space<vmem_shared>> -> memref<632x64xf32, #tpu.memory_space<vmem_shared>>
      tpu.wait_dma2 semaphore(%run_scoped3A_73 : memref<!tpu.dma_semaphore, #tpu.memory_space<semaphore_mem>>) src(%dma_wait3A_81 : memref<632x64xf32, #tpu.memory_space<vmem_shared>>) dst(%dma_wait3A_79 : memref<632x64xf32, #tpu.memory_space<hbm>>)
      tpu.yield
    }) : () -> ()
    return
  }
}

#map = affine_map<(d0, d1) -> (0, 0)>
#map1 = affine_map<(d0, d1) -> (0, 0, 0, 0)>
module attributes {stable_mosaic.version = 14 : i64} {
  func.func @_sc_segsum_body(%arg0: i32, %arg1: i32, %arg2: memref<10112x64xf32, #tpu.memory_space<hbm>>, %arg3: memref<2x32x125x80xi32, #tpu.memory_space<hbm>>, %arg4: memref<632x64xf32, #tpu.memory_space<hbm>>, %arg5: memref<20224x64xf32, #tpu.memory_space<hbm>>, %arg6: memref<125x80xi32, #tpu.memory_space<vmem>>, %arg7: memref<125x80xi32, #tpu.memory_space<vmem>>, %arg8: memref<80x64xf32, #tpu.memory_space<vmem>>, %arg9: memref<80x64xf32, #tpu.memory_space<vmem>>, %arg10: memref<10112x64xf32, #tpu.memory_space<vmem_shared>>, %arg11: memref<10112x64xf32, #tpu.memory_space<vmem_shared>>, %arg12: memref<!tpu.dma_semaphore, #tpu.memory_space<semaphore_mem>>, %arg13: memref<!tpu.dma_semaphore, #tpu.memory_space<semaphore_mem>>, %arg14: memref<!tpu.dma_semaphore, #tpu.memory_space<semaphore_mem>>) attributes {dimension_semantics = [#tpu.dimension_semantics<core_parallel>, #tpu.dimension_semantics<subcore_parallel>], iteration_bounds = array<i64: 2, 16>, scalar_prefetch = 0 : i64, scratch_operands = 9 : i64, tpu.core_type = #tpu.core_type<sc_vector_subcore>, window_params = [{transform_indices = #map}, {transform_indices = #map1}, {transform_indices = #map}, {transform_indices = #map}]} {
    %mul3A = arith.constant 16 : i32
    %mul3A_0 = arith.muli %arg0, %mul3A : i32
    %add3A = arith.addi %mul3A_0, %arg1 : i32
    %dma_start3A = arith.constant 0 : i32
    %dma_start3A_1 = arith.constant 0 : i32
    %dma_start3A_2 = arith.constant 0 : i32
    %dma_start3A_3 = tpu.memref_slice %arg3[%dma_start3A, %add3A, %dma_start3A_1, %dma_start3A_2] : memref<2x32x125x80xi32, #tpu.memory_space<hbm>> -> memref<1x1x125x80xi32, #tpu.memory_space<hbm>>
    %dma_start3A_4 = tpu.memref_squeeze %dma_start3A_3 : memref<1x1x125x80xi32, #tpu.memory_space<hbm>> -> memref<125x80xi32, #tpu.memory_space<hbm>>
    %dma_start3A_5 = arith.constant 0 : i32
    %dma_start3A_6 = arith.constant 0 : i32
    %dma_start3A_7 = tpu.memref_slice %arg3[%dma_start3A, %add3A, %dma_start3A_5, %dma_start3A_6] : memref<2x32x125x80xi32, #tpu.memory_space<hbm>> -> memref<1x1x125x80xi32, #tpu.memory_space<hbm>>
    %dma_start3A_8 = tpu.memref_squeeze %dma_start3A_7 : memref<1x1x125x80xi32, #tpu.memory_space<hbm>> -> memref<125x80xi32, #tpu.memory_space<hbm>>
    tpu.enqueue_dma source(%dma_start3A_8 : memref<125x80xi32, #tpu.memory_space<hbm>>) target(%arg6 : memref<125x80xi32, #tpu.memory_space<vmem>>) target_semaphore(%arg12 : memref<!tpu.dma_semaphore, #tpu.memory_space<semaphore_mem>>)
    %dma_start3A_9 = arith.constant 1 : i32
    %dma_start3A_10 = arith.constant 0 : i32
    %dma_start3A_11 = arith.constant 0 : i32
    %dma_start3A_12 = tpu.memref_slice %arg3[%dma_start3A_9, %add3A, %dma_start3A_10, %dma_start3A_11] : memref<2x32x125x80xi32, #tpu.memory_space<hbm>> -> memref<1x1x125x80xi32, #tpu.memory_space<hbm>>
    %dma_start3A_13 = tpu.memref_squeeze %dma_start3A_12 : memref<1x1x125x80xi32, #tpu.memory_space<hbm>> -> memref<125x80xi32, #tpu.memory_space<hbm>>
    %dma_start3A_14 = arith.constant 0 : i32
    %dma_start3A_15 = arith.constant 0 : i32
    %dma_start3A_16 = tpu.memref_slice %arg3[%dma_start3A_9, %add3A, %dma_start3A_14, %dma_start3A_15] : memref<2x32x125x80xi32, #tpu.memory_space<hbm>> -> memref<1x1x125x80xi32, #tpu.memory_space<hbm>>
    %dma_start3A_17 = tpu.memref_squeeze %dma_start3A_16 : memref<1x1x125x80xi32, #tpu.memory_space<hbm>> -> memref<125x80xi32, #tpu.memory_space<hbm>>
    tpu.enqueue_dma source(%dma_start3A_17 : memref<125x80xi32, #tpu.memory_space<hbm>>) target(%arg7 : memref<125x80xi32, #tpu.memory_space<vmem>>) target_semaphore(%arg13 : memref<!tpu.dma_semaphore, #tpu.memory_space<semaphore_mem>>)
    %mul3A_18 = arith.constant 632 : i32
    %mul3A_19 = arith.muli %arg1, %mul3A_18 : i32
    %dma_start3A_20 = arith.constant 0 : i32
    %dma_start3A_21 = tpu.memref_slice %arg11[%mul3A_19, %dma_start3A_20] : memref<10112x64xf32, #tpu.memory_space<vmem_shared>> -> memref<632x64xf32, #tpu.memory_space<vmem_shared>>
    tpu.enqueue_dma source(%arg4 : memref<632x64xf32, #tpu.memory_space<hbm>>) target(%dma_start3A_21 : memref<632x64xf32, #tpu.memory_space<vmem_shared>>) target_semaphore(%arg14 : memref<!tpu.dma_semaphore, #tpu.memory_space<semaphore_mem>>)
    %mul3A_22 = arith.constant 632 : i32
    %mul3A_23 = arith.muli %arg1, %mul3A_22 : i32
    %mul3A_24 = arith.constant 632 : i32
    %mul3A_25 = arith.muli %arg1, %mul3A_24 : i32
    "tpu.region"() ({
      %run_scoped3A_73 = tpu.sem_alloc : memref<!tpu.dma_semaphore, #tpu.memory_space<semaphore_mem>>
      %dma_start3A_74 = arith.constant 0 : i32
      %dma_start3A_75 = tpu.memref_slice %arg10[%mul3A_25, %dma_start3A_74] : memref<10112x64xf32, #tpu.memory_space<vmem_shared>> -> memref<632x64xf32, #tpu.memory_space<vmem_shared>>
      %dma_start3A_76 = arith.constant 0 : i32
      %dma_start3A_77 = tpu.memref_slice %arg2[%mul3A_23, %dma_start3A_76] : memref<10112x64xf32, #tpu.memory_space<hbm>> -> memref<632x64xf32, #tpu.memory_space<hbm>>
      tpu.enqueue_dma source(%dma_start3A_77 : memref<632x64xf32, #tpu.memory_space<hbm>>) target(%dma_start3A_75 : memref<632x64xf32, #tpu.memory_space<vmem_shared>>) target_semaphore(%run_scoped3A_73 : memref<!tpu.dma_semaphore, #tpu.memory_space<semaphore_mem>>)
      %dma_wait3A_78 = arith.constant 0 : i32
      %dma_wait3A_79 = tpu.memref_slice %arg10[%mul3A_25, %dma_wait3A_78] : memref<10112x64xf32, #tpu.memory_space<vmem_shared>> -> memref<632x64xf32, #tpu.memory_space<vmem_shared>>
      %dma_wait3A_80 = arith.constant 0 : i32
      %dma_wait3A_81 = tpu.memref_slice %arg2[%mul3A_23, %dma_wait3A_80] : memref<10112x64xf32, #tpu.memory_space<hbm>> -> memref<632x64xf32, #tpu.memory_space<hbm>>
      tpu.wait_dma2 semaphore(%run_scoped3A_73 : memref<!tpu.dma_semaphore, #tpu.memory_space<semaphore_mem>>) src(%dma_wait3A_81 : memref<632x64xf32, #tpu.memory_space<hbm>>) dst(%dma_wait3A_79 : memref<632x64xf32, #tpu.memory_space<vmem_shared>>)
      tpu.yield
    }) : () -> ()
    %dma_wait3A = arith.constant 0 : i32
    %dma_wait3A_26 = arith.constant 0 : i32
    %dma_wait3A_27 = arith.constant 0 : i32
    %dma_wait3A_28 = tpu.memref_slice %arg3[%dma_wait3A, %add3A, %dma_wait3A_26, %dma_wait3A_27] : memref<2x32x125x80xi32, #tpu.memory_space<hbm>> -> memref<1x1x125x80xi32, #tpu.memory_space<hbm>>
    %dma_wait3A_29 = tpu.memref_squeeze %dma_wait3A_28 : memref<1x1x125x80xi32, #tpu.memory_space<hbm>> -> memref<125x80xi32, #tpu.memory_space<hbm>>
    %dma_wait3A_30 = arith.constant 0 : i32
    %dma_wait3A_31 = arith.constant 0 : i32
    %dma_wait3A_32 = tpu.memref_slice %arg3[%dma_wait3A, %add3A, %dma_wait3A_30, %dma_wait3A_31] : memref<2x32x125x80xi32, #tpu.memory_space<hbm>> -> memref<1x1x125x80xi32, #tpu.memory_space<hbm>>
    %dma_wait3A_33 = tpu.memref_squeeze %dma_wait3A_32 : memref<1x1x125x80xi32, #tpu.memory_space<hbm>> -> memref<125x80xi32, #tpu.memory_space<hbm>>
    tpu.wait_dma2 semaphore(%arg12 : memref<!tpu.dma_semaphore, #tpu.memory_space<semaphore_mem>>) src(%dma_wait3A_33 : memref<125x80xi32, #tpu.memory_space<hbm>>) dst(%arg6 : memref<125x80xi32, #tpu.memory_space<vmem>>)
    %dma_wait3A_34 = arith.constant 1 : i32
    %dma_wait3A_35 = arith.constant 0 : i32
    %dma_wait3A_36 = arith.constant 0 : i32
    %dma_wait3A_37 = tpu.memref_slice %arg3[%dma_wait3A_34, %add3A, %dma_wait3A_35, %dma_wait3A_36] : memref<2x32x125x80xi32, #tpu.memory_space<hbm>> -> memref<1x1x125x80xi32, #tpu.memory_space<hbm>>
    %dma_wait3A_38 = tpu.memref_squeeze %dma_wait3A_37 : memref<1x1x125x80xi32, #tpu.memory_space<hbm>> -> memref<125x80xi32, #tpu.memory_space<hbm>>
    %dma_wait3A_39 = arith.constant 0 : i32
    %dma_wait3A_40 = arith.constant 0 : i32
    %dma_wait3A_41 = tpu.memref_slice %arg3[%dma_wait3A_34, %add3A, %dma_wait3A_39, %dma_wait3A_40] : memref<2x32x125x80xi32, #tpu.memory_space<hbm>> -> memref<1x1x125x80xi32, #tpu.memory_space<hbm>>
    %dma_wait3A_42 = tpu.memref_squeeze %dma_wait3A_41 : memref<1x1x125x80xi32, #tpu.memory_space<hbm>> -> memref<125x80xi32, #tpu.memory_space<hbm>>
    tpu.wait_dma2 semaphore(%arg13 : memref<!tpu.dma_semaphore, #tpu.memory_space<semaphore_mem>>) src(%dma_wait3A_42 : memref<125x80xi32, #tpu.memory_space<hbm>>) dst(%arg7 : memref<125x80xi32, #tpu.memory_space<vmem>>)
    %mul3A_43 = arith.constant 632 : i32
    %mul3A_44 = arith.muli %arg1, %mul3A_43 : i32
    %dma_wait3A_45 = arith.constant 0 : i32
    %dma_wait3A_46 = tpu.memref_slice %arg11[%mul3A_44, %dma_wait3A_45] : memref<10112x64xf32, #tpu.memory_space<vmem_shared>> -> memref<632x64xf32, #tpu.memory_space<vmem_shared>>
    tpu.wait_dma2 semaphore(%arg14 : memref<!tpu.dma_semaphore, #tpu.memory_space<semaphore_mem>>) src(%arg4 : memref<632x64xf32, #tpu.memory_space<hbm>>) dst(%dma_wait3A_46 : memref<632x64xf32, #tpu.memory_space<vmem_shared>>)
    %barrier3A = arith.constant 0 : index
    tpu.barrier barrier_id(%barrier3A)
    %dma_start3A_47 = arith.constant 0 : i32
    %dma_start3A_48 = arith.constant 0 : i32
    %dma_start3A_49 = tpu.memref_slice %arg6[%dma_start3A_47, %dma_start3A_48] : memref<125x80xi32, #tpu.memory_space<vmem>> -> memref<1x80xi32, #tpu.memory_space<vmem>>
    %dma_start3A_50 = tpu.memref_squeeze %dma_start3A_49 : memref<1x80xi32, #tpu.memory_space<vmem>> -> memref<80xi32, #tpu.memory_space<vmem>>
    %dma_start3A_51 = arith.constant 0 : i32
    %dma_start3A_52 = arith.constant 0 : i32
    %dma_start3A_53 = tpu.memref_slice %arg10[%dma_start3A_51, %dma_start3A_52] : memref<10112x64xf32, #tpu.memory_space<vmem_shared>> -> memref<10112x64xf32, #tpu.memory_space<vmem_shared>>
    tpu.enqueue_indirect_dma source(%dma_start3A_53 : memref<10112x64xf32, #tpu.memory_space<vmem_shared>>) target(%arg8 : memref<80x64xf32, #tpu.memory_space<vmem>>) offsets(%dma_start3A_50 : memref<80xi32, #tpu.memory_space<vmem>>) semaphore(%arg12 : memref<!tpu.dma_semaphore, #tpu.memory_space<semaphore_mem>>)
    %scan3A = arith.constant 0 : i32
    %scan3A_54 = arith.constant 0 : i32
    %scan3A_55 = arith.constant 62 : i32
    %scan3A_56 = arith.addi %scan3A_54, %scan3A_55 : i32
    %scan3A_57 = arith.constant 1 : i32
    scf.for %scan3A_73 = %scan3A_54 to %scan3A_56 step %scan3A_57  : i32 {
      %mul3A_74 = arith.constant 2 : i32
      %mul3A_75 = arith.muli %mul3A_74, %scan3A_73 : i32
      %add3A_76 = arith.constant 1 : i32
      %add3A_77 = arith.addi %mul3A_75, %add3A_76 : i32
      %dma_start3A_78 = arith.constant 0 : i32
      %dma_start3A_79 = tpu.memref_slice %arg6[%add3A_77, %dma_start3A_78] : memref<125x80xi32, #tpu.memory_space<vmem>> -> memref<1x80xi32, #tpu.memory_space<vmem>>
      %dma_start3A_80 = tpu.memref_squeeze %dma_start3A_79 : memref<1x80xi32, #tpu.memory_space<vmem>> -> memref<80xi32, #tpu.memory_space<vmem>>
      %dma_start3A_81 = arith.constant 0 : i32
      %dma_start3A_82 = arith.constant 0 : i32
      %dma_start3A_83 = tpu.memref_slice %arg10[%dma_start3A_81, %dma_start3A_82] : memref<10112x64xf32, #tpu.memory_space<vmem_shared>> -> memref<10112x64xf32, #tpu.memory_space<vmem_shared>>
      tpu.enqueue_indirect_dma source(%dma_start3A_83 : memref<10112x64xf32, #tpu.memory_space<vmem_shared>>) target(%arg9 : memref<80x64xf32, #tpu.memory_space<vmem>>) offsets(%dma_start3A_80 : memref<80xi32, #tpu.memory_space<vmem>>) semaphore(%arg13 : memref<!tpu.dma_semaphore, #tpu.memory_space<semaphore_mem>>)
      %dma_wait3A_84 = arith.constant 0 : i32
      %dma_wait3A_85 = arith.constant 0 : i32
      %dma_wait3A_86 = tpu.memref_slice %arg2[%dma_wait3A_84, %dma_wait3A_85] : memref<10112x64xf32, #tpu.memory_space<hbm>> -> memref<80x64xf32, #tpu.memory_space<hbm>>
      %dma_wait3A_87 = arith.constant 0 : i32
      %dma_wait3A_88 = arith.constant 0 : i32
      %dma_wait3A_89 = tpu.memref_slice %arg2[%dma_wait3A_87, %dma_wait3A_88] : memref<10112x64xf32, #tpu.memory_space<hbm>> -> memref<80x64xf32, #tpu.memory_space<hbm>>
      tpu.wait_dma2 semaphore(%arg12 : memref<!tpu.dma_semaphore, #tpu.memory_space<semaphore_mem>>) src(%dma_wait3A_89 : memref<80x64xf32, #tpu.memory_space<hbm>>) dst(%arg8 : memref<80x64xf32, #tpu.memory_space<vmem>>)
      "tpu.region"() ({
        %run_scoped3A_106 = tpu.sem_alloc : memref<!tpu.dma_semaphore, #tpu.memory_space<semaphore_mem>>
        %dma_start3A_107 = arith.constant 0 : i32
        %dma_start3A_108 = tpu.memref_slice %arg7[%mul3A_75, %dma_start3A_107] : memref<125x80xi32, #tpu.memory_space<vmem>> -> memref<1x80xi32, #tpu.memory_space<vmem>>
        %dma_start3A_109 = tpu.memref_squeeze %dma_start3A_108 : memref<1x80xi32, #tpu.memory_space<vmem>> -> memref<80xi32, #tpu.memory_space<vmem>>
        %dma_start3A_110 = arith.constant 0 : i32
        %dma_start3A_111 = arith.constant 0 : i32
        %dma_start3A_112 = tpu.memref_slice %arg11[%dma_start3A_110, %dma_start3A_111] : memref<10112x64xf32, #tpu.memory_space<vmem_shared>> -> memref<10112x64xf32, #tpu.memory_space<vmem_shared>>
        tpu.enqueue_indirect_dma source(%arg8 : memref<80x64xf32, #tpu.memory_space<vmem>>) target(%dma_start3A_112 : memref<10112x64xf32, #tpu.memory_space<vmem_shared>>) offsets(%dma_start3A_109 : memref<80xi32, #tpu.memory_space<vmem>>) semaphore(%run_scoped3A_106 : memref<!tpu.dma_semaphore, #tpu.memory_space<semaphore_mem>>) {add = true}
        %dma_wait3A_113 = arith.constant 0 : i32
        %dma_wait3A_114 = tpu.memref_slice %arg7[%mul3A_75, %dma_wait3A_113] : memref<125x80xi32, #tpu.memory_space<vmem>> -> memref<1x80xi32, #tpu.memory_space<vmem>>
        %dma_wait3A_115 = tpu.memref_squeeze %dma_wait3A_114 : memref<1x80xi32, #tpu.memory_space<vmem>> -> memref<80xi32, #tpu.memory_space<vmem>>
        %dma_wait3A_116 = arith.constant 0 : i32
        %dma_wait3A_117 = arith.constant 0 : i32
        %dma_wait3A_118 = tpu.memref_slice %arg11[%dma_wait3A_116, %dma_wait3A_117] : memref<10112x64xf32, #tpu.memory_space<vmem_shared>> -> memref<10112x64xf32, #tpu.memory_space<vmem_shared>>
        tpu.wait_indirect_dma semaphore(%run_scoped3A_106 : memref<!tpu.dma_semaphore, #tpu.memory_space<semaphore_mem>>) src(%arg8 : memref<80x64xf32, #tpu.memory_space<vmem>>) dst(%dma_wait3A_118 : memref<10112x64xf32, #tpu.memory_space<vmem_shared>>)
        tpu.yield
      }) : () -> ()
      %add3A_90 = arith.constant 2 : i32
      %add3A_91 = arith.addi %mul3A_75, %add3A_90 : i32
      %dma_start3A_92 = arith.constant 0 : i32
      %dma_start3A_93 = tpu.memref_slice %arg6[%add3A_91, %dma_start3A_92] : memref<125x80xi32, #tpu.memory_space<vmem>> -> memref<1x80xi32, #tpu.memory_space<vmem>>
      %dma_start3A_94 = tpu.memref_squeeze %dma_start3A_93 : memref<1x80xi32, #tpu.memory_space<vmem>> -> memref<80xi32, #tpu.memory_space<vmem>>
      %dma_start3A_95 = arith.constant 0 : i32
      %dma_start3A_96 = arith.constant 0 : i32
      %dma_start3A_97 = tpu.memref_slice %arg10[%dma_start3A_95, %dma_start3A_96] : memref<10112x64xf32, #tpu.memory_space<vmem_shared>> -> memref<10112x64xf32, #tpu.memory_space<vmem_shared>>
      tpu.enqueue_indirect_dma source(%dma_start3A_97 : memref<10112x64xf32, #tpu.memory_space<vmem_shared>>) target(%arg8 : memref<80x64xf32, #tpu.memory_space<vmem>>) offsets(%dma_start3A_94 : memref<80xi32, #tpu.memory_space<vmem>>) semaphore(%arg12 : memref<!tpu.dma_semaphore, #tpu.memory_space<semaphore_mem>>)
      %dma_wait3A_98 = arith.constant 0 : i32
      %dma_wait3A_99 = arith.constant 0 : i32
      %dma_wait3A_100 = tpu.memref_slice %arg2[%dma_wait3A_98, %dma_wait3A_99] : memref<10112x64xf32, #tpu.memory_space<hbm>> -> memref<80x64xf32, #tpu.memory_space<hbm>>
      %dma_wait3A_101 = arith.constant 0 : i32
      %dma_wait3A_102 = arith.constant 0 : i32
      %dma_wait3A_103 = tpu.memref_slice %arg2[%dma_wait3A_101, %dma_wait3A_102] : memref<10112x64xf32, #tpu.memory_space<hbm>> -> memref<80x64xf32, #tpu.memory_space<hbm>>
      tpu.wait_dma2 semaphore(%arg13 : memref<!tpu.dma_semaphore, #tpu.memory_space<semaphore_mem>>) src(%dma_wait3A_103 : memref<80x64xf32, #tpu.memory_space<hbm>>) dst(%arg9 : memref<80x64xf32, #tpu.memory_space<vmem>>)
      %add3A_104 = arith.constant 1 : i32
      %add3A_105 = arith.addi %mul3A_75, %add3A_104 : i32
      "tpu.region"() ({
        %run_scoped3A_106 = tpu.sem_alloc : memref<!tpu.dma_semaphore, #tpu.memory_space<semaphore_mem>>
        %dma_start3A_107 = arith.constant 0 : i32
        %dma_start3A_108 = tpu.memref_slice %arg7[%add3A_105, %dma_start3A_107] : memref<125x80xi32, #tpu.memory_space<vmem>> -> memref<1x80xi32, #tpu.memory_space<vmem>>
        %dma_start3A_109 = tpu.memref_squeeze %dma_start3A_108 : memref<1x80xi32, #tpu.memory_space<vmem>> -> memref<80xi32, #tpu.memory_space<vmem>>
        %dma_start3A_110 = arith.constant 0 : i32
        %dma_start3A_111 = arith.constant 0 : i32
        %dma_start3A_112 = tpu.memref_slice %arg11[%dma_start3A_110, %dma_start3A_111] : memref<10112x64xf32, #tpu.memory_space<vmem_shared>> -> memref<10112x64xf32, #tpu.memory_space<vmem_shared>>
        tpu.enqueue_indirect_dma source(%arg9 : memref<80x64xf32, #tpu.memory_space<vmem>>) target(%dma_start3A_112 : memref<10112x64xf32, #tpu.memory_space<vmem_shared>>) offsets(%dma_start3A_109 : memref<80xi32, #tpu.memory_space<vmem>>) semaphore(%run_scoped3A_106 : memref<!tpu.dma_semaphore, #tpu.memory_space<semaphore_mem>>) {add = true}
        %dma_wait3A_113 = arith.constant 0 : i32
        %dma_wait3A_114 = tpu.memref_slice %arg7[%add3A_105, %dma_wait3A_113] : memref<125x80xi32, #tpu.memory_space<vmem>> -> memref<1x80xi32, #tpu.memory_space<vmem>>
        %dma_wait3A_115 = tpu.memref_squeeze %dma_wait3A_114 : memref<1x80xi32, #tpu.memory_space<vmem>> -> memref<80xi32, #tpu.memory_space<vmem>>
        %dma_wait3A_116 = arith.constant 0 : i32
        %dma_wait3A_117 = arith.constant 0 : i32
        %dma_wait3A_118 = tpu.memref_slice %arg11[%dma_wait3A_116, %dma_wait3A_117] : memref<10112x64xf32, #tpu.memory_space<vmem_shared>> -> memref<10112x64xf32, #tpu.memory_space<vmem_shared>>
        tpu.wait_indirect_dma semaphore(%run_scoped3A_106 : memref<!tpu.dma_semaphore, #tpu.memory_space<semaphore_mem>>) src(%arg9 : memref<80x64xf32, #tpu.memory_space<vmem>>) dst(%dma_wait3A_118 : memref<10112x64xf32, #tpu.memory_space<vmem_shared>>)
        tpu.yield
      }) : () -> ()
    }
    %scan3A_58 = arith.constant 62 : i32
    %dma_wait3A_59 = arith.constant 0 : i32
    %dma_wait3A_60 = arith.constant 0 : i32
    %dma_wait3A_61 = tpu.memref_slice %arg2[%dma_wait3A_59, %dma_wait3A_60] : memref<10112x64xf32, #tpu.memory_space<hbm>> -> memref<80x64xf32, #tpu.memory_space<hbm>>
    %dma_wait3A_62 = arith.constant 0 : i32
    %dma_wait3A_63 = arith.constant 0 : i32
    %dma_wait3A_64 = tpu.memref_slice %arg2[%dma_wait3A_62, %dma_wait3A_63] : memref<10112x64xf32, #tpu.memory_space<hbm>> -> memref<80x64xf32, #tpu.memory_space<hbm>>
    tpu.wait_dma2 semaphore(%arg12 : memref<!tpu.dma_semaphore, #tpu.memory_space<semaphore_mem>>) src(%dma_wait3A_64 : memref<80x64xf32, #tpu.memory_space<hbm>>) dst(%arg8 : memref<80x64xf32, #tpu.memory_space<vmem>>)
    %run_scoped3A = arith.constant 124 : i32
    "tpu.region"() ({
      %run_scoped3A_73 = tpu.sem_alloc : memref<!tpu.dma_semaphore, #tpu.memory_space<semaphore_mem>>
      %dma_start3A_74 = arith.constant 0 : i32
      %dma_start3A_75 = tpu.memref_slice %arg7[%run_scoped3A, %dma_start3A_74] : memref<125x80xi32, #tpu.memory_space<vmem>> -> memref<1x80xi32, #tpu.memory_space<vmem>>
      %dma_start3A_76 = tpu.memref_squeeze %dma_start3A_75 : memref<1x80xi32, #tpu.memory_space<vmem>> -> memref<80xi32, #tpu.memory_space<vmem>>
      %dma_start3A_77 = arith.constant 0 : i32
      %dma_start3A_78 = arith.constant 0 : i32
      %dma_start3A_79 = tpu.memref_slice %arg11[%dma_start3A_77, %dma_start3A_78] : memref<10112x64xf32, #tpu.memory_space<vmem_shared>> -> memref<10112x64xf32, #tpu.memory_space<vmem_shared>>
      tpu.enqueue_indirect_dma source(%arg8 : memref<80x64xf32, #tpu.memory_space<vmem>>) target(%dma_start3A_79 : memref<10112x64xf32, #tpu.memory_space<vmem_shared>>) offsets(%dma_start3A_76 : memref<80xi32, #tpu.memory_space<vmem>>) semaphore(%run_scoped3A_73 : memref<!tpu.dma_semaphore, #tpu.memory_space<semaphore_mem>>) {add = true}
      %dma_wait3A_80 = arith.constant 0 : i32
      %dma_wait3A_81 = tpu.memref_slice %arg7[%run_scoped3A, %dma_wait3A_80] : memref<125x80xi32, #tpu.memory_space<vmem>> -> memref<1x80xi32, #tpu.memory_space<vmem>>
      %dma_wait3A_82 = tpu.memref_squeeze %dma_wait3A_81 : memref<1x80xi32, #tpu.memory_space<vmem>> -> memref<80xi32, #tpu.memory_space<vmem>>
      %dma_wait3A_83 = arith.constant 0 : i32
      %dma_wait3A_84 = arith.constant 0 : i32
      %dma_wait3A_85 = tpu.memref_slice %arg11[%dma_wait3A_83, %dma_wait3A_84] : memref<10112x64xf32, #tpu.memory_space<vmem_shared>> -> memref<10112x64xf32, #tpu.memory_space<vmem_shared>>
      tpu.wait_indirect_dma semaphore(%run_scoped3A_73 : memref<!tpu.dma_semaphore, #tpu.memory_space<semaphore_mem>>) src(%arg8 : memref<80x64xf32, #tpu.memory_space<vmem>>) dst(%dma_wait3A_85 : memref<10112x64xf32, #tpu.memory_space<vmem_shared>>)
      tpu.yield
    }) : () -> ()
    %barrier3A_65 = arith.constant 0 : index
    tpu.barrier barrier_id(%barrier3A_65)
    %mul3A_66 = arith.constant 632 : i32
    %mul3A_67 = arith.muli %arg1, %mul3A_66 : i32
    %mul3A_68 = arith.constant 10112 : i32
    %mul3A_69 = arith.muli %arg0, %mul3A_68 : i32
    %mul3A_70 = arith.constant 632 : i32
    %mul3A_71 = arith.muli %arg1, %mul3A_70 : i32
    %add3A_72 = arith.addi %mul3A_69, %mul3A_71 : i32
    "tpu.region"() ({
      %run_scoped3A_73 = tpu.sem_alloc : memref<!tpu.dma_semaphore, #tpu.memory_space<semaphore_mem>>
      %dma_start3A_74 = arith.constant 0 : i32
      %dma_start3A_75 = tpu.memref_slice %arg5[%add3A_72, %dma_start3A_74] : memref<20224x64xf32, #tpu.memory_space<hbm>> -> memref<632x64xf32, #tpu.memory_space<hbm>>
      %dma_start3A_76 = arith.constant 0 : i32
      %dma_start3A_77 = tpu.memref_slice %arg11[%mul3A_67, %dma_start3A_76] : memref<10112x64xf32, #tpu.memory_space<vmem_shared>> -> memref<632x64xf32, #tpu.memory_space<vmem_shared>>
      tpu.enqueue_dma source(%dma_start3A_77 : memref<632x64xf32, #tpu.memory_space<vmem_shared>>) target(%dma_start3A_75 : memref<632x64xf32, #tpu.memory_space<hbm>>) target_semaphore(%run_scoped3A_73 : memref<!tpu.dma_semaphore, #tpu.memory_space<semaphore_mem>>)
      %dma_wait3A_78 = arith.constant 0 : i32
      %dma_wait3A_79 = tpu.memref_slice %arg5[%add3A_72, %dma_wait3A_78] : memref<20224x64xf32, #tpu.memory_space<hbm>> -> memref<632x64xf32, #tpu.memory_space<hbm>>
      %dma_wait3A_80 = arith.constant 0 : i32
      %dma_wait3A_81 = tpu.memref_slice %arg11[%mul3A_67, %dma_wait3A_80] : memref<10112x64xf32, #tpu.memory_space<vmem_shared>> -> memref<632x64xf32, #tpu.memory_space<vmem_shared>>
      tpu.wait_dma2 semaphore(%run_scoped3A_73 : memref<!tpu.dma_semaphore, #tpu.memory_space<semaphore_mem>>) src(%dma_wait3A_81 : memref<632x64xf32, #tpu.memory_space<vmem_shared>>) dst(%dma_wait3A_79 : memref<632x64xf32, #tpu.memory_space<hbm>>)
      tpu.yield
    }) : () -> ()
    return
  }
}

module attributes {stable_mosaic.version = 14 : i64} {
  func.func @_tc_layer1_body(%arg0: i32, %arg1: memref<2528x128xf32, #tpu.memory_space<vmem>>, %arg2: memref<2528x128xf32, #tpu.memory_space<vmem>>, %arg3: memref<256x512xf32, #tpu.memory_space<vmem>>, %arg4: memref<1x512xf32, #tpu.memory_space<vmem>>, %arg5: memref<2528x128xf32, #tpu.memory_space<vmem>>, %arg6: memref<2528x128xf32, #tpu.memory_space<vmem>>) attributes {dimension_semantics = [#tpu.dimension_semantics<parallel>], iteration_bounds = array<i64: 2>, scalar_prefetch = 0 : i64, scratch_operands = 0 : i64, tpu.core_type = #tpu.core_type<tc>, window_params = [{transform_indices = @transform_0, window_bounds = array<i64: 2528, 128>}, {transform_indices = @transform_1, window_bounds = array<i64: 2528, 128>}, {pipeline_mode = #tpu.pipeline_mode<synchronous>, transform_indices = @transform_2, window_bounds = array<i64: 256, 512>}, {pipeline_mode = #tpu.pipeline_mode<synchronous>, transform_indices = @transform_3, window_bounds = array<i64: 1, 512>}, {transform_indices = @transform_4, window_bounds = array<i64: 2528, 128>}, {transform_indices = @transform_5, window_bounds = array<i64: 2528, 128>}]} {
    %get3A = arith.constant 0 : index
    %get3A_0 = arith.constant 0 : index
    %get3A_1 = vector.load %arg1[%get3A, %get3A_0] : memref<2528x128xf32, #tpu.memory_space<vmem>>, vector<2528x128xf32>
    %get3A_2 = arith.constant 0 : index
    %get3A_3 = arith.constant 0 : index
    %get3A_4 = vector.load %arg2[%get3A_2, %get3A_3] : memref<2528x128xf32, #tpu.memory_space<vmem>>, vector<2528x128xf32>
    %concatenate3A = tpu.concatenate %get3A_1, %get3A_4 in 1 : vector<2528x128xf32>, vector<2528x128xf32> -> vector<2528x256xf32>
    %get3A_5 = arith.constant 0 : index
    %get3A_6 = arith.constant 0 : index
    %get3A_7 = vector.load %arg3[%get3A_5, %get3A_6] : memref<256x512xf32, #tpu.memory_space<vmem>>, vector<256x512xf32>
    %dot_general3A = arith.constant dense<0.000000e+00> : vector<2528x512xf32>
    %dot_general3A_8 = tpu.matmul %concatenate3A, %get3A_7, %dot_general3A {dimension_numbers = #tpu.dot_dimension_numbers<[1], [0], [0], [1], [0, 0, 1, 1], [], []>, transpose_lhs_hint = false} : vector<2528x256xf32>, vector<256x512xf32>, vector<2528x512xf32> -> vector<2528x512xf32>
    %get3A_9 = arith.constant 0 : index
    %get3A_10 = arith.constant 0 : index
    %get3A_11 = vector.load %arg4[%get3A_9, %get3A_10] : memref<1x512xf32, #tpu.memory_space<vmem>>, vector<1x512xf32>
    %add3A = vector.broadcast %get3A_11 : vector<1x512xf32> to vector<2528x512xf32>
    %add3A_12 = arith.addf %dot_general3A_8, %add3A : vector<2528x512xf32>
    %slice3A = vector.extract_strided_slice %add3A_12 {offsets = [0, 0], sizes = [2528, 128], strides = [1, 1]} : vector<2528x512xf32> to vector<2528x128xf32>
    %slice3A_13 = vector.extract_strided_slice %add3A_12 {offsets = [0, 128], sizes = [2528, 128], strides = [1, 1]} : vector<2528x512xf32> to vector<2528x128xf32>
    %slice3A_14 = vector.extract_strided_slice %add3A_12 {offsets = [0, 256], sizes = [2528, 128], strides = [1, 1]} : vector<2528x512xf32> to vector<2528x128xf32>
    %mul3A = arith.mulf %slice3A_13, %slice3A_14 : vector<2528x128xf32>
    %add3A_15 = arith.addf %slice3A, %mul3A : vector<2528x128xf32>
    %swap3A = arith.constant 0 : index
    %swap3A_16 = arith.constant 0 : index
    %swap3A_17 = vector.load %arg5[%swap3A, %swap3A_16] : memref<2528x128xf32, #tpu.memory_space<vmem>>, vector<2528x128xf32>
    tpu.vector_store %arg5[%swap3A, %swap3A_16], %add3A_15 {strides = array<i32>} : memref<2528x128xf32, #tpu.memory_space<vmem>>, vector<2528x128xf32>,
    %slice3A_18 = vector.extract_strided_slice %add3A_12 {offsets = [0, 384], sizes = [2528, 128], strides = [1, 1]} : vector<2528x512xf32> to vector<2528x128xf32>
    %swap3A_19 = arith.constant 0 : index
    %swap3A_20 = arith.constant 0 : index
    %swap3A_21 = vector.load %arg6[%swap3A_19, %swap3A_20] : memref<2528x128xf32, #tpu.memory_space<vmem>>, vector<2528x128xf32>
    tpu.vector_store %arg6[%swap3A_19, %swap3A_20], %slice3A_18 {strides = array<i32>} : memref<2528x128xf32, #tpu.memory_space<vmem>>, vector<2528x128xf32>,
    return
  }
  func.func @transform_0(%arg0: i32) -> (i32, i32) {
    %c0_i32 = arith.constant 0 : i32
    %c0_i32_0 = arith.constant 0 : i32
    return %arg0, %c0_i32 : i32, i32
  }
  func.func @transform_1(%arg0: i32) -> (i32, i32) {
    %add3A = arith.constant 2 : i32
    %add3A_0 = arith.addi %arg0, %add3A : i32
    %c0_i32 = arith.constant 0 : i32
    %c0_i32_1 = arith.constant 0 : i32
    return %add3A_0, %c0_i32 : i32, i32
  }
  func.func @transform_2(%arg0: i32) -> (i32, i32) {
    %c0_i32 = arith.constant 0 : i32
    %c0_i32_0 = arith.constant 0 : i32
    %c0_i32_1 = arith.constant 0 : i32
    return %c0_i32, %c0_i32_0 : i32, i32
  }
  func.func @transform_3(%arg0: i32) -> (i32, i32) {
    %c0_i32 = arith.constant 0 : i32
    %c0_i32_0 = arith.constant 0 : i32
    %c0_i32_1 = arith.constant 0 : i32
    return %c0_i32, %c0_i32_0 : i32, i32
  }
  func.func @transform_4(%arg0: i32) -> (i32, i32) {
    %c0_i32 = arith.constant 0 : i32
    %c0_i32_0 = arith.constant 0 : i32
    return %arg0, %c0_i32 : i32, i32
  }
  func.func @transform_5(%arg0: i32) -> (i32, i32) {
    %c0_i32 = arith.constant 0 : i32
    %c0_i32_0 = arith.constant 0 : i32
    return %arg0, %c0_i32 : i32, i32
  }
}

module attributes {stable_mosaic.version = 14 : i64} {
  func.func @_tc_mid_body(%arg0: i32, %arg1: memref<2528x128xf32, #tpu.memory_space<vmem>>, %arg2: memref<2x2528x128xf32, #tpu.memory_space<vmem>>, %arg3: memref<1x128xf32, #tpu.memory_space<vmem>>, %arg4: memref<128x512xf32, #tpu.memory_space<vmem>>, %arg5: memref<1x512xf32, #tpu.memory_space<vmem>>, %arg6: memref<2528x128xf32, #tpu.memory_space<vmem>>, %arg7: memref<2528x128xf32, #tpu.memory_space<vmem>>) attributes {dimension_semantics = [#tpu.dimension_semantics<parallel>], iteration_bounds = array<i64: 2>, scalar_prefetch = 0 : i64, scratch_operands = 0 : i64, tpu.core_type = #tpu.core_type<tc>, window_params = [{transform_indices = @transform_0, window_bounds = array<i64: 2528, 128>}, {transform_indices = @transform_1, window_bounds = array<i64: 2, 2528, 128>}, {pipeline_mode = #tpu.pipeline_mode<synchronous>, transform_indices = @transform_2, window_bounds = array<i64: 1, 128>}, {pipeline_mode = #tpu.pipeline_mode<synchronous>, transform_indices = @transform_3, window_bounds = array<i64: 128, 512>}, {pipeline_mode = #tpu.pipeline_mode<synchronous>, transform_indices = @transform_4, window_bounds = array<i64: 1, 512>}, {transform_indices = @transform_5, window_bounds = array<i64: 2528, 128>}, {transform_indices = @transform_6, window_bounds = array<i64: 2528, 128>}]} {
    %get3A = arith.constant 0 : index
    %get3A_0 = arith.constant 0 : index
    %get3A_1 = vector.load %arg1[%get3A, %get3A_0] : memref<2528x128xf32, #tpu.memory_space<vmem>>, vector<2528x128xf32>
    %get3A_2 = arith.constant 0 : index
    %get3A_3 = arith.constant 0 : index
    %get3A_4 = arith.constant 0 : index
    %get3A_5 = vector.load %arg2[%get3A_2, %get3A_3, %get3A_4] : memref<2x2528x128xf32, #tpu.memory_space<vmem>>, vector<1x2528x128xf32>
    %get3A_6 = vector.shape_cast %get3A_5 : vector<1x2528x128xf32> to vector<2528x128xf32>
    %add3A = arith.addf %get3A_1, %get3A_6 : vector<2528x128xf32>
    %get3A_7 = arith.constant 1 : index
    %get3A_8 = arith.constant 0 : index
    %get3A_9 = arith.constant 0 : index
    %get3A_10 = vector.load %arg2[%get3A_7, %get3A_8, %get3A_9] : memref<2x2528x128xf32, #tpu.memory_space<vmem>>, vector<1x2528x128xf32>
    %get3A_11 = vector.shape_cast %get3A_10 : vector<1x2528x128xf32> to vector<2528x128xf32>
    %add3A_12 = arith.addf %add3A, %get3A_11 : vector<2528x128xf32>
    %get3A_13 = arith.constant 0 : index
    %get3A_14 = arith.constant 0 : index
    %get3A_15 = vector.load %arg3[%get3A_13, %get3A_14] : memref<1x128xf32, #tpu.memory_space<vmem>>, vector<1x128xf32>
    %add3A_16 = vector.broadcast %get3A_15 : vector<1x128xf32> to vector<2528x128xf32>
    %add3A_17 = arith.addf %add3A_12, %add3A_16 : vector<2528x128xf32>
    %max3A = arith.constant 0.000000e+00 : f32
    %max3A_18 = vector.broadcast %max3A : f32 to vector<2528x128xf32>
    %max3A_19 = arith.maximumf %add3A_17, %max3A_18 : vector<2528x128xf32>
    %get3A_20 = arith.constant 0 : index
    %get3A_21 = arith.constant 0 : index
    %get3A_22 = vector.load %arg4[%get3A_20, %get3A_21] : memref<128x512xf32, #tpu.memory_space<vmem>>, vector<128x512xf32>
    %dot_general3A = arith.constant dense<0.000000e+00> : vector<2528x512xf32>
    %dot_general3A_23 = tpu.matmul %max3A_19, %get3A_22, %dot_general3A {dimension_numbers = #tpu.dot_dimension_numbers<[1], [0], [0], [1], [0, 0, 1, 1], [], []>, transpose_lhs_hint = false} : vector<2528x128xf32>, vector<128x512xf32>, vector<2528x512xf32> -> vector<2528x512xf32>
    %get3A_24 = arith.constant 0 : index
    %get3A_25 = arith.constant 0 : index
    %get3A_26 = vector.load %arg5[%get3A_24, %get3A_25] : memref<1x512xf32, #tpu.memory_space<vmem>>, vector<1x512xf32>
    %add3A_27 = vector.broadcast %get3A_26 : vector<1x512xf32> to vector<2528x512xf32>
    %add3A_28 = arith.addf %dot_general3A_23, %add3A_27 : vector<2528x512xf32>
    %slice3A = vector.extract_strided_slice %add3A_28 {offsets = [0, 0], sizes = [2528, 128], strides = [1, 1]} : vector<2528x512xf32> to vector<2528x128xf32>
    %slice3A_29 = vector.extract_strided_slice %add3A_28 {offsets = [0, 128], sizes = [2528, 128], strides = [1, 1]} : vector<2528x512xf32> to vector<2528x128xf32>
    %slice3A_30 = vector.extract_strided_slice %add3A_28 {offsets = [0, 256], sizes = [2528, 128], strides = [1, 1]} : vector<2528x512xf32> to vector<2528x128xf32>
    %mul3A = arith.mulf %slice3A_29, %slice3A_30 : vector<2528x128xf32>
    %add3A_31 = arith.addf %slice3A, %mul3A : vector<2528x128xf32>
    %swap3A = arith.constant 0 : index
    %swap3A_32 = arith.constant 0 : index
    %swap3A_33 = vector.load %arg6[%swap3A, %swap3A_32] : memref<2528x128xf32, #tpu.memory_space<vmem>>, vector<2528x128xf32>
    tpu.vector_store %arg6[%swap3A, %swap3A_32], %add3A_31 {strides = array<i32>} : memref<2528x128xf32, #tpu.memory_space<vmem>>, vector<2528x128xf32>,
    %slice3A_34 = vector.extract_strided_slice %add3A_28 {offsets = [0, 384], sizes = [2528, 128], strides = [1, 1]} : vector<2528x512xf32> to vector<2528x128xf32>
    %swap3A_35 = arith.constant 0 : index
    %swap3A_36 = arith.constant 0 : index
    %swap3A_37 = vector.load %arg7[%swap3A_35, %swap3A_36] : memref<2528x128xf32, #tpu.memory_space<vmem>>, vector<2528x128xf32>
    tpu.vector_store %arg7[%swap3A_35, %swap3A_36], %slice3A_34 {strides = array<i32>} : memref<2528x128xf32, #tpu.memory_space<vmem>>, vector<2528x128xf32>,
    return
  }
  func.func @transform_0(%arg0: i32) -> (i32, i32) {
    %c0_i32 = arith.constant 0 : i32
    %c0_i32_0 = arith.constant 0 : i32
    return %arg0, %c0_i32 : i32, i32
  }
  func.func @transform_1(%arg0: i32) -> (i32, i32, i32) {
    %c0_i32 = arith.constant 0 : i32
    %c0_i32_0 = arith.constant 0 : i32
    %c0_i32_1 = arith.constant 0 : i32
    return %c0_i32, %arg0, %c0_i32_0 : i32, i32, i32
  }
  func.func @transform_2(%arg0: i32) -> (i32, i32) {
    %c0_i32 = arith.constant 0 : i32
    %c0_i32_0 = arith.constant 0 : i32
    %c0_i32_1 = arith.constant 0 : i32
    return %c0_i32, %c0_i32_0 : i32, i32
  }
  func.func @transform_3(%arg0: i32) -> (i32, i32) {
    %c0_i32 = arith.constant 0 : i32
    %c0_i32_0 = arith.constant 0 : i32
    %c0_i32_1 = arith.constant 0 : i32
    return %c0_i32, %c0_i32_0 : i32, i32
  }
  func.func @transform_4(%arg0: i32) -> (i32, i32) {
    %c0_i32 = arith.constant 0 : i32
    %c0_i32_0 = arith.constant 0 : i32
    %c0_i32_1 = arith.constant 0 : i32
    return %c0_i32, %c0_i32_0 : i32, i32
  }
  func.func @transform_5(%arg0: i32) -> (i32, i32) {
    %c0_i32 = arith.constant 0 : i32
    %c0_i32_0 = arith.constant 0 : i32
    return %arg0, %c0_i32 : i32, i32
  }
  func.func @transform_6(%arg0: i32) -> (i32, i32) {
    %c0_i32 = arith.constant 0 : i32
    %c0_i32_0 = arith.constant 0 : i32
    return %arg0, %c0_i32 : i32, i32
  }
}

module attributes {stable_mosaic.version = 14 : i64} {
  func.func @_tc_final_body(%arg0: i32, %arg1: memref<2528x128xf32, #tpu.memory_space<vmem>>, %arg2: memref<2x2528x128xf32, #tpu.memory_space<vmem>>, %arg3: memref<1x128xf32, #tpu.memory_space<vmem>>, %arg4: memref<2528x1xi32, #tpu.memory_space<vmem>>, %arg5: memref<2528x1xi32, #tpu.memory_space<vmem>>, %arg6: memref<64x10xf32, #tpu.memory_space<vmem>>, %arg7: memref<1x10xf32, #tpu.memory_space<vmem>>, %arg8: memref<10x1xf32, #tpu.memory_space<vmem>>, %arg9: memref<1x1xf32, #tpu.memory_space<vmem>>, %arg10: memref<16x1xf32, #tpu.memory_space<vmem>>, %arg11: memref<16x64xf32, #tpu.memory_space<vmem>>, %arg12: memref<16x64xf32, #tpu.memory_space<vmem>>) attributes {dimension_semantics = [#tpu.dimension_semantics<arbitrary>], iteration_bounds = array<i64: 2>, scalar_prefetch = 0 : i64, scratch_operands = 2 : i64, tpu.core_type = #tpu.core_type<tc>, window_params = [{transform_indices = @transform_0, window_bounds = array<i64: 2528, 128>}, {transform_indices = @transform_1, window_bounds = array<i64: 2, 2528, 128>}, {pipeline_mode = #tpu.pipeline_mode<synchronous>, transform_indices = @transform_2, window_bounds = array<i64: 1, 128>}, {transform_indices = @transform_3, window_bounds = array<i64: 2528, 1>}, {transform_indices = @transform_4, window_bounds = array<i64: 2528, 1>}, {pipeline_mode = #tpu.pipeline_mode<synchronous>, transform_indices = @transform_5, window_bounds = array<i64: 64, 10>}, {pipeline_mode = #tpu.pipeline_mode<synchronous>, transform_indices = @transform_6, window_bounds = array<i64: 1, 10>}, {pipeline_mode = #tpu.pipeline_mode<synchronous>, transform_indices = @transform_7, window_bounds = array<i64: 10, 1>}, {pipeline_mode = #tpu.pipeline_mode<synchronous>, transform_indices = @transform_8, window_bounds = array<i64: 1, 1>}, {pipeline_mode = #tpu.pipeline_mode<synchronous>, transform_indices = @transform_9, window_bounds = array<i64: 16, 1>}]} {
    %eq3A = arith.constant 0 : i32
    %eq3A_0 = arith.cmpi eq, %arg0, %eq3A : i32
    %convert_element_type3A = arith.extui %eq3A_0 : i1 to i32
    %cond3A = arith.constant 0 : i32
    %cond3A_1 = arith.cmpi ne, %convert_element_type3A, %cond3A : i32
    scf.if %cond3A_1 {
      %broadcast_in_dim3A_67 = arith.constant 0.000000e+00 : f32
      %broadcast_in_dim3A_68 = vector.broadcast %broadcast_in_dim3A_67 : f32 to vector<16x64xf32>
      %swap3A_69 = arith.constant 0 : index
      %swap3A_70 = arith.constant 0 : index
      %swap3A_71 = vector.load %arg11[%swap3A_69, %swap3A_70] : memref<16x64xf32, #tpu.memory_space<vmem>>, vector<16x64xf32>
      tpu.vector_store %arg11[%swap3A_69, %swap3A_70], %broadcast_in_dim3A_68 {strides = array<i32>} : memref<16x64xf32, #tpu.memory_space<vmem>>, vector<16x64xf32>,
      %broadcast_in_dim3A_72 = arith.constant 0.000000e+00 : f32
      %broadcast_in_dim3A_73 = vector.broadcast %broadcast_in_dim3A_72 : f32 to vector<16x64xf32>
      %swap3A_74 = arith.constant 0 : index
      %swap3A_75 = arith.constant 0 : index
      %swap3A_76 = vector.load %arg12[%swap3A_74, %swap3A_75] : memref<16x64xf32, #tpu.memory_space<vmem>>, vector<16x64xf32>
      tpu.vector_store %arg12[%swap3A_74, %swap3A_75], %broadcast_in_dim3A_73 {strides = array<i32>} : memref<16x64xf32, #tpu.memory_space<vmem>>, vector<16x64xf32>,
    } else {
    }
    %get3A = arith.constant 0 : index
    %get3A_2 = arith.constant 0 : index
    %get3A_3 = vector.load %arg1[%get3A, %get3A_2] : memref<2528x128xf32, #tpu.memory_space<vmem>>, vector<2528x128xf32>
    %get3A_4 = arith.constant 0 : index
    %get3A_5 = arith.constant 0 : index
    %get3A_6 = arith.constant 0 : index
    %get3A_7 = vector.load %arg2[%get3A_4, %get3A_5, %get3A_6] : memref<2x2528x128xf32, #tpu.memory_space<vmem>>, vector<1x2528x128xf32>
    %get3A_8 = vector.shape_cast %get3A_7 : vector<1x2528x128xf32> to vector<2528x128xf32>
    %add3A = arith.addf %get3A_3, %get3A_8 : vector<2528x128xf32>
    %get3A_9 = arith.constant 1 : index
    %get3A_10 = arith.constant 0 : index
    %get3A_11 = arith.constant 0 : index
    %get3A_12 = vector.load %arg2[%get3A_9, %get3A_10, %get3A_11] : memref<2x2528x128xf32, #tpu.memory_space<vmem>>, vector<1x2528x128xf32>
    %get3A_13 = vector.shape_cast %get3A_12 : vector<1x2528x128xf32> to vector<2528x128xf32>
    %add3A_14 = arith.addf %add3A, %get3A_13 : vector<2528x128xf32>
    %get3A_15 = arith.constant 0 : index
    %get3A_16 = arith.constant 0 : index
    %get3A_17 = vector.load %arg3[%get3A_15, %get3A_16] : memref<1x128xf32, #tpu.memory_space<vmem>>, vector<1x128xf32>
    %add3A_18 = vector.broadcast %get3A_17 : vector<1x128xf32> to vector<2528x128xf32>
    %add3A_19 = arith.addf %add3A_14, %add3A_18 : vector<2528x128xf32>
    %max3A = arith.constant 0.000000e+00 : f32
    %max3A_20 = vector.broadcast %max3A : f32 to vector<2528x128xf32>
    %max3A_21 = arith.maximumf %add3A_19, %max3A_20 : vector<2528x128xf32>
    %iota3A = tpu.iota {dimensions = array<i32: 1>} : vector<1x16xi32>
    %get3A_22 = arith.constant 0 : index
    %get3A_23 = arith.constant 0 : index
    %get3A_24 = vector.load %arg4[%get3A_22, %get3A_23] : memref<2528x1xi32, #tpu.memory_space<vmem>>, vector<2528x1xi32>
    %eq3A_25 = vector.broadcast %get3A_24 : vector<2528x1xi32> to vector<2528x16xi32>
    %eq3A_26 = vector.broadcast %iota3A : vector<1x16xi32> to vector<2528x16xi32>
    %eq3A_27 = arith.cmpi eq, %eq3A_25, %eq3A_26 : vector<2528x16xi32>
    %convert_element_type3A_28 = arith.extui %eq3A_27 : vector<2528x16xi1> to vector<2528x16xi32>
    %convert_element_type3A_29 = arith.sitofp %convert_element_type3A_28 : vector<2528x16xi32> to vector<2528x16xf32>
    %get3A_30 = arith.constant 0 : index
    %get3A_31 = arith.constant 0 : index
    %get3A_32 = vector.load %arg5[%get3A_30, %get3A_31] : memref<2528x1xi32, #tpu.memory_space<vmem>>, vector<2528x1xi32>
    %eq3A_33 = vector.broadcast %get3A_32 : vector<2528x1xi32> to vector<2528x16xi32>
    %eq3A_34 = vector.broadcast %iota3A : vector<1x16xi32> to vector<2528x16xi32>
    %eq3A_35 = arith.cmpi eq, %eq3A_33, %eq3A_34 : vector<2528x16xi32>
    %convert_element_type3A_36 = arith.extui %eq3A_35 : vector<2528x16xi1> to vector<2528x16xi32>
    %convert_element_type3A_37 = arith.sitofp %convert_element_type3A_36 : vector<2528x16xi32> to vector<2528x16xf32>
    %broadcast_in_dim3A = arith.constant 1.000000e+00 : f32
    %broadcast_in_dim3A_38 = vector.broadcast %broadcast_in_dim3A : f32 to vector<2528x64xf32>
    %get3A_39 = arith.constant 0 : index
    %get3A_40 = arith.constant 0 : index
    %get3A_41 = vector.load %arg11[%get3A_39, %get3A_40] : memref<16x64xf32, #tpu.memory_space<vmem>>, vector<16x64xf32>
    %slice3A = vector.extract_strided_slice %max3A_21 {offsets = [0, 0], sizes = [2528, 64], strides = [1, 1]} : vector<2528x128xf32> to vector<2528x64xf32>
    %dot_general3A = arith.constant dense<0.000000e+00> : vector<16x64xf32>
    %dot_general3A_42 = tpu.matmul %convert_element_type3A_29, %slice3A, %dot_general3A {dimension_numbers = #tpu.dot_dimension_numbers<[0], [0], [1], [1], [0, 1, 1, 1], [], []>, transpose_lhs_hint = false} : vector<2528x16xf32>, vector<2528x64xf32>, vector<16x64xf32> -> vector<16x64xf32>
    %slice3A_43 = vector.extract_strided_slice %max3A_21 {offsets = [0, 64], sizes = [2528, 64], strides = [1, 1]} : vector<2528x128xf32> to vector<2528x64xf32>
    %dot_general3A_44 = arith.constant dense<0.000000e+00> : vector<16x64xf32>
    %dot_general3A_45 = tpu.matmul %convert_element_type3A_37, %slice3A_43, %dot_general3A_44 {dimension_numbers = #tpu.dot_dimension_numbers<[0], [0], [1], [1], [0, 1, 1, 1], [], []>, transpose_lhs_hint = false} : vector<2528x16xf32>, vector<2528x64xf32>, vector<16x64xf32> -> vector<16x64xf32>
    %add3A_46 = arith.addf %dot_general3A_42, %dot_general3A_45 : vector<16x64xf32>
    %add3A_47 = arith.addf %get3A_41, %add3A_46 : vector<16x64xf32>
    %swap3A = arith.constant 0 : index
    %swap3A_48 = arith.constant 0 : index
    %swap3A_49 = vector.load %arg11[%swap3A, %swap3A_48] : memref<16x64xf32, #tpu.memory_space<vmem>>, vector<16x64xf32>
    tpu.vector_store %arg11[%swap3A, %swap3A_48], %add3A_47 {strides = array<i32>} : memref<16x64xf32, #tpu.memory_space<vmem>>, vector<16x64xf32>,
    %get3A_50 = arith.constant 0 : index
    %get3A_51 = arith.constant 0 : index
    %get3A_52 = vector.load %arg12[%get3A_50, %get3A_51] : memref<16x64xf32, #tpu.memory_space<vmem>>, vector<16x64xf32>
    %dot_general3A_53 = arith.constant dense<0.000000e+00> : vector<16x64xf32>
    %dot_general3A_54 = tpu.matmul %convert_element_type3A_29, %broadcast_in_dim3A_38, %dot_general3A_53 {dimension_numbers = #tpu.dot_dimension_numbers<[0], [0], [1], [1], [0, 1, 1, 1], [], []>, transpose_lhs_hint = false} : vector<2528x16xf32>, vector<2528x64xf32>, vector<16x64xf32> -> vector<16x64xf32>
    %dot_general3A_55 = arith.constant dense<0.000000e+00> : vector<16x64xf32>
    %dot_general3A_56 = tpu.matmul %convert_element_type3A_37, %broadcast_in_dim3A_38, %dot_general3A_55 {dimension_numbers = #tpu.dot_dimension_numbers<[0], [0], [1], [1], [0, 1, 1, 1], [], []>, transpose_lhs_hint = false} : vector<2528x16xf32>, vector<2528x64xf32>, vector<16x64xf32> -> vector<16x64xf32>
    %add3A_57 = arith.addf %dot_general3A_54, %dot_general3A_56 : vector<16x64xf32>
    %add3A_58 = arith.addf %get3A_52, %add3A_57 : vector<16x64xf32>
    %swap3A_59 = arith.constant 0 : index
    %swap3A_60 = arith.constant 0 : index
    %swap3A_61 = vector.load %arg12[%swap3A_59, %swap3A_60] : memref<16x64xf32, #tpu.memory_space<vmem>>, vector<16x64xf32>
    tpu.vector_store %arg12[%swap3A_59, %swap3A_60], %add3A_58 {strides = array<i32>} : memref<16x64xf32, #tpu.memory_space<vmem>>, vector<16x64xf32>,
    %eq3A_62 = arith.constant 1 : i32
    %eq3A_63 = arith.cmpi eq, %arg0, %eq3A_62 : i32
    %convert_element_type3A_64 = arith.extui %eq3A_63 : i1 to i32
    %cond3A_65 = arith.constant 0 : i32
    %cond3A_66 = arith.cmpi ne, %convert_element_type3A_64, %cond3A_65 : i32
    scf.if %cond3A_66 {
      %get3A_67 = arith.constant 0 : index
      %get3A_68 = arith.constant 0 : index
      %get3A_69 = vector.load %arg11[%get3A_67, %get3A_68] : memref<16x64xf32, #tpu.memory_space<vmem>>, vector<16x64xf32>
      %get3A_70 = arith.constant 0 : index
      %get3A_71 = arith.constant 0 : index
      %get3A_72 = vector.load %arg12[%get3A_70, %get3A_71] : memref<16x64xf32, #tpu.memory_space<vmem>>, vector<16x64xf32>
      %max3A_73 = arith.constant 1.000000e+00 : f32
      %max3A_74 = vector.broadcast %max3A_73 : f32 to vector<16x64xf32>
      %max3A_75 = arith.maximumf %get3A_72, %max3A_74 : vector<16x64xf32>
      %div3A = arith.divf %get3A_69, %max3A_75 : vector<16x64xf32>
      %get3A_76 = arith.constant 0 : index
      %get3A_77 = arith.constant 0 : index
      %get3A_78 = vector.load %arg6[%get3A_76, %get3A_77] : memref<64x10xf32, #tpu.memory_space<vmem>>, vector<64x10xf32>
      %dot_general3A_79 = arith.constant dense<0.000000e+00> : vector<16x10xf32>
      %dot_general3A_80 = tpu.matmul %div3A, %get3A_78, %dot_general3A_79 {dimension_numbers = #tpu.dot_dimension_numbers<[1], [0], [0], [1], [0, 0, 1, 1], [], []>, transpose_lhs_hint = false} : vector<16x64xf32>, vector<64x10xf32>, vector<16x10xf32> -> vector<16x10xf32>
      %get3A_81 = arith.constant 0 : index
      %get3A_82 = arith.constant 0 : index
      %get3A_83 = vector.load %arg7[%get3A_81, %get3A_82] : memref<1x10xf32, #tpu.memory_space<vmem>>, vector<1x10xf32>
      %add3A_84 = vector.broadcast %get3A_83 : vector<1x10xf32> to vector<16x10xf32>
      %add3A_85 = arith.addf %dot_general3A_80, %add3A_84 : vector<16x10xf32>
      %get3A_86 = arith.constant 0 : index
      %get3A_87 = arith.constant 0 : index
      %get3A_88 = vector.load %arg8[%get3A_86, %get3A_87] : memref<10x1xf32, #tpu.memory_space<vmem>>, vector<10x1xf32>
      %dot_general3A_89 = arith.constant dense<0.000000e+00> : vector<16x1xf32>
      %dot_general3A_90 = tpu.matmul %add3A_85, %get3A_88, %dot_general3A_89 {dimension_numbers = #tpu.dot_dimension_numbers<[1], [0], [0], [1], [0, 0, 1, 1], [], []>, transpose_lhs_hint = false} : vector<16x10xf32>, vector<10x1xf32>, vector<16x1xf32> -> vector<16x1xf32>
      %get3A_91 = arith.constant 0 : index
      %get3A_92 = arith.constant 0 : index
      %get3A_93 = vector.load %arg9[%get3A_91, %get3A_92] : memref<1x1xf32, #tpu.memory_space<vmem>>, vector<1x1xf32>
      %add3A_94 = vector.broadcast %get3A_93 : vector<1x1xf32> to vector<16x1xf32>
      %add3A_95 = arith.addf %dot_general3A_90, %add3A_94 : vector<16x1xf32>
      %swap3A_96 = arith.constant 0 : index
      %swap3A_97 = arith.constant 0 : index
      %swap3A_98 = vector.load %arg10[%swap3A_96, %swap3A_97] : memref<16x1xf32, #tpu.memory_space<vmem>>, vector<16x1xf32>
      tpu.vector_store %arg10[%swap3A_96, %swap3A_97], %add3A_95 {strides = array<i32>} : memref<16x1xf32, #tpu.memory_space<vmem>>, vector<16x1xf32>,
    } else {
    }
    return
  }
  func.func @transform_0(%arg0: i32) -> (i32, i32) {
    %c0_i32 = arith.constant 0 : i32
    %c0_i32_0 = arith.constant 0 : i32
    return %arg0, %c0_i32 : i32, i32
  }
  func.func @transform_1(%arg0: i32) -> (i32, i32, i32) {
    %c0_i32 = arith.constant 0 : i32
    %c0_i32_0 = arith.constant 0 : i32
    %c0_i32_1 = arith.constant 0 : i32
    return %c0_i32, %arg0, %c0_i32_0 : i32, i32, i32
  }
  func.func @transform_2(%arg0: i32) -> (i32, i32) {
    %c0_i32 = arith.constant 0 : i32
    %c0_i32_0 = arith.constant 0 : i32
    %c0_i32_1 = arith.constant 0 : i32
    return %c0_i32, %c0_i32_0 : i32, i32
  }
  func.func @transform_3(%arg0: i32) -> (i32, i32) {
    %c0_i32 = arith.constant 0 : i32
    %c0_i32_0 = arith.constant 0 : i32
    return %arg0, %c0_i32 : i32, i32
  }
  func.func @transform_4(%arg0: i32) -> (i32, i32) {
    %add3A = arith.constant 2 : i32
    %add3A_0 = arith.addi %arg0, %add3A : i32
    %c0_i32 = arith.constant 0 : i32
    %c0_i32_1 = arith.constant 0 : i32
    return %add3A_0, %c0_i32 : i32, i32
  }
  func.func @transform_5(%arg0: i32) -> (i32, i32) {
    %c0_i32 = arith.constant 0 : i32
    %c0_i32_0 = arith.constant 0 : i32
    %c0_i32_1 = arith.constant 0 : i32
    return %c0_i32, %c0_i32_0 : i32, i32
  }
  func.func @transform_6(%arg0: i32) -> (i32, i32) {
    %c0_i32 = arith.constant 0 : i32
    %c0_i32_0 = arith.constant 0 : i32
    %c0_i32_1 = arith.constant 0 : i32
    return %c0_i32, %c0_i32_0 : i32, i32
  }
  func.func @transform_7(%arg0: i32) -> (i32, i32) {
    %c0_i32 = arith.constant 0 : i32
    %c0_i32_0 = arith.constant 0 : i32
    %c0_i32_1 = arith.constant 0 : i32
    return %c0_i32, %c0_i32_0 : i32, i32
  }
  func.func @transform_8(%arg0: i32) -> (i32, i32) {
    %c0_i32 = arith.constant 0 : i32
    %c0_i32_0 = arith.constant 0 : i32
    %c0_i32_1 = arith.constant 0 : i32
    return %c0_i32, %c0_i32_0 : i32, i32
  }
  func.func @transform_9(%arg0: i32) -> (i32, i32) {
    %c0_i32 = arith.constant 0 : i32
    %c0_i32_0 = arith.constant 0 : i32
    %c0_i32_1 = arith.constant 0 : i32
    return %c0_i32, %c0_i32_0 : i32, i32
  }
}

</mosaic_0001>

<sc_bundles>
// kernel: kernel.12.cloned.1.call-start
scs
__scs_entry_jumppad:
0x0: {  	(pc) =	sbr.rel $0x88, $3  }
0x1: {  	(tag) =	ssettag $0x0;
	lr =	simm.s32 $0x1  }
0x2: {  	[smem:$0x3F82] =	sst lr;
	_ =	strace $0xD0000000  }
0x3: {  	_ = 	snop  }
0x4: {  	_ = 	snop  }
0x5: {  	_ = 	snop  }
0x6: {  	_ = 	snop  }
0x7: {  	_ = 	snop  }
__scs_overlays_trampoline_lowered:
0x8: {  	[smem:$0x3F91] =	sst s0  }
0x9: {  	[smem:$0x3F92] =	sst s1  }
0xa: {  	[smem:$0x3F93] =	sst s2  }
0xb: {  	[smem:$0x3F94] =	sst s3  }
0xc: {  	[smem:$0x3F95] =	sst s4  }
0xd: {  	[smem:$0x3F96] =	sst s5  }
0xe: {  	[smem:$0x3F97] =	sst s6  }
0xf: {  	[smem:$0x3F98] =	sst s7  }
0x10: {  	[smem:$0x3F99] =	sst s8  }
0x11: {  	[smem:$0x3F9A] =	sst s9;
	s0 =	simm.s32 @!p0 $0x0  }
0x12: {  	s1 =	sld [smem:$0x3F80];
	s0 =	simm.s32 @p0 $0x1  }
0x13: {  	[smem:$0x3F9B] =	sst s0;
	s0 =	simm.s32 @!p1 $0x0  }
0x14: {  	s2 =	sld [smem:$0x3F7F];
	s0 =	simm.s32 @p1 $0x1  }
0x15: {  	[smem:$0x3F9C] =	sst s0;
	s0 =	simm.s32 @!p2 $0x0  }
0x16: {  	s3 =	sld [smem:$0x3FDB];
	s0 =	simm.s32 @p2 $0x1  }
0x17: {  	s4 =	simm.s32 $0x1BF5;
	[smem:$0x3F9E] =	sst s0  }
0x18: {  	s0 =	sld [smem:$0x3F81];
	_ =	swait.ge [sflag:s4], $0x0  }
0x19: {  	s7 =	sld [smem:$0x3F82]  }
0x1a: {  	s8 =	sadd.s32 $0xFFFFE003, lr  }
0x1b: {  	s9 =	sadd.s32 $0xFFFFFEF7, lr;
	s5 =	simm.s32 $0xFFFFFFFF;
	p2 =	slt.u32 s8, $0xFFFFF086  }
0x1c: {  	p1 =	slt.u32 s9, $0xF7A;
	s5 =	simm.s32 @!p2 $0x0  }
0x1d: {  	s5 =	simm.s32 @p1 $0x1;
	p0 =	seq.s32 s7, s2  }
0x1e: {  	s7 =	smul.u32 @!p0 $0xF7A, s2;
	p2 =	seq.s32 @!p0 s5, $0x0  }
0x1f: {  	s9 =	smul.u32 $0xF7A, s1;
	s8 =	simm.s32 @!p0 $0x1BF5;
	p2 =	por !p2, p0  }
0x20: {  	[sflag:s8] =	ssyncset.s32 @!p0 $0xFFFFF086;
	s6 =	sadd.s32 @!p0 s3, s7;
	s7 =	simm.s32 @!p0 $0x108  }
0x21: {  	s3 =	sadd.s32 s3, s9;
	s6 =	sadd.s32 @!p0 $0x88, s6;
	s7 =	simm.s32 @p2 $0x1082  }
0x22: {  	[simem:s7], [sflag:s8] =	dma.local @!p0 [hbm:s6], $0xF7A  }
0x23: {  	s9 =	sor.u32 $0xD0000000, s2;
	s6 =	simm.s32 $0x108;
	_ =	swait.ge @!p0 [sflag:s8], $0x0  }
0x24: {  	s3 =	sadd.s32 $0x88, s3;
	s6 =	simm.s32 @!p1 $0x1082;
	[sflag:s4] =	ssyncset.s32 $0xFFFFF086  }
0x25: {  	[simem:s6], [sflag:s4] =	dma.local [hbm:s3], $0xF7A  }
0x26: {  	[smem:$0x3F82] =	sst s1;
	(tag) =	ssettag s2;
	_ =	strace s9  }
0x27: {  	s1 =	sld [smem:$0x3F92]  }
0x28: {  	s2 =	sld [smem:$0x3F93]  }
0x29: {  	s4 =	sld [smem:$0x3F95]  }
0x2a: {  	p0 =	seq.s32 s5, $0x0;
	s5 =	sld [smem:$0x3F96]  }
0x2b: {  	s6 =	sld [smem:$0x3F97]  }
0x2c: {  	s7 =	sld [smem:$0x3F98]  }
0x2d: {  	s3 =	simm.s32 $0x108;
	s8 =	sld [smem:$0x3F99]  }
0x2e: {  	s3 =	simm.s32 @!p0 $0x1082;
	s9 =	sld [smem:$0x3F9A]  }
0x2f: {  	lr =	sadd.s32 s0, s3;
	s0 =	sld [smem:$0x3F91]  }
0x30: {  	s3 =	sld [smem:$0x3F94]  }
0x31: {  	[smem:$0x3F9D] =	sst s10  }
0x32: {  	s10 =	sld [smem:$0x3F9B];
	_ =	sdelay $0x3  }
0x33: {  	p0 =	seq.s32 s10, $0x1;
	s10 =	sld [smem:$0x3F9D];
	_ =	sdelay $0x3  }
0x34: {  	[smem:$0x3F9D] =	sst s10  }
0x35: {  	s10 =	sld [smem:$0x3F9C];
	_ =	sdelay $0x3  }
0x36: {  	p1 =	seq.s32 s10, $0x1;
	s10 =	sld [smem:$0x3F9D];
	_ =	sdelay $0x3  }
0x37: {  	[smem:$0x3F9D] =	sst s10  }
0x38: {  	s10 =	sld [smem:$0x3F9E]  }
0x39: {  	_ = 	snop;
	(pc) =	sbr.ind lr, $3  }
0x3a: {  	_ = 	snop  }
0x3b: {  	_ = 	snop  }
0x3c: {  	p2 =	seq.s32 s10, $0x1;
	s10 =	sld [smem:$0x3F9D]  }
0x3d: {  	_ =	shalt  }
0x3e: {  	_ =	shalt  }
0x3f: {  	_ =	shalt  }
0x40: {  	_ =	shalt  }
0x41: {  	_ =	shalt  }
0x42: {  	_ =	shalt  }
0x43: {  	_ =	shalt  }
0x44: {  	_ =	shalt  }
0x45: {  	_ =	shalt  }
0x46: {  	_ =	shalt  }
0x47: {  	_ =	shalt  }
0x48: {  	_ =	shalt  }
0x49: {  	_ =	shalt  }
0x4a: {  	_ =	shalt  }
0x4b: {  	_ =	shalt  }
0x4c: {  	_ =	shalt  }
0x4d: {  	_ =	shalt  }
0x4e: {  	_ =	shalt  }
0x4f: {  	_ =	shalt  }
0x50: {  	_ =	shalt  }
0x51: {  	_ =	shalt  }
0x52: {  	_ =	shalt  }
0x53: {  	_ =	shalt  }
0x54: {  	_ =	shalt  }
0x55: {  	_ =	shalt  }
0x56: {  	_ =	shalt  }
0x57: {  	_ =	shalt  }
0x58: {  	_ =	shalt  }
0x59: {  	_ =	shalt  }
0x5a: {  	_ =	shalt  }
0x5b: {  	_ =	shalt  }
0x5c: {  	_ =	shalt  }
0x5d: {  	_ =	shalt  }
0x5e: {  	_ =	shalt  }
0x5f: {  	_ =	shalt  }
0x60: {  	_ =	shalt  }
0x61: {  	_ =	shalt  }
0x62: {  	_ =	shalt  }
0x63: {  	_ =	shalt  }
0x64: {  	_ =	shalt  }
0x65: {  	_ =	shalt  }
0x66: {  	_ =	shalt  }
0x67: {  	_ =	shalt  }
0x68: {  	_ =	shalt  }
0x69: {  	_ =	shalt  }
0x6a: {  	_ =	shalt  }
0x6b: {  	_ =	shalt  }
0x6c: {  	_ =	shalt  }
0x6d: {  	_ =	shalt  }
0x6e: {  	_ =	shalt  }
0x6f: {  	_ =	shalt  }
0x70: {  	_ =	shalt  }
0x71: {  	_ =	shalt  }
0x72: {  	_ =	shalt  }
0x73: {  	_ =	shalt  }
0x74: {  	_ =	shalt  }
0x75: {  	_ =	shalt  }
0x76: {  	_ =	shalt  }
0x77: {  	_ =	shalt  }
0x78: {  	_ =	shalt  }
0x79: {  	_ =	shalt  }
0x7a: {  	_ =	shalt  }
0x7b: {  	_ =	shalt  }
0x7c: {  	_ =	shalt  }
0x7d: {  	_ =	shalt  }
0x7e: {  	_ =	shalt  }
0x7f: {  	_ =	shalt  }
0x80: {  	_ =	shalt  }
0x81: {  	_ =	shalt  }
0x82: {  	_ =	shalt  }
0x83: {  	_ =	shalt  }
0x84: {  	_ =	shalt  }
0x85: {  	_ =	shalt  }
0x86: {  	_ =	shalt  }
0x87: {  	_ =	shalt  }
.Lfunc_end0:
.L_simem_size_0:
called_computation.1_lowered:
.L_overlay_start_0:
0x88: {  	s2 =	sld [smem:$0x3FD9]  }
0x89: {  	s3 =	sld [smem:$0x3FFE];
	_ =	sdelay $0x1  }
0x8a: {  	s1 =	srdreg.scid  }
0x8b: {  	s0 =	sand.u32 $0x1, s1  }
0x8c: {  	s16 =	sshll.u32 s0, $0xA;
	s2 =	sadd.s32 s3, s2  }
0x8d: {  	s2 =	sadd.s32 s2, s16  }
0x8e: {  	[smem:$0x3FA9] =	sst s2  }
0x8f: {  	_ = 	snop  }
0x90: {  	(tm) =	ssettm $0x1  }
0x91: {  	s17 =	sld [smem:$0x3FFB];
	_ =	sdelay $0x3  }
0x92: {  	_ =	strace s17  }
0x93: {  	s2 =	sld [smem:$0x3FFC];
	_ =	sdelay $0x3  }
0x94: {  	_ =	strace s2  }
0x95: {  	s2 =	sld [smem:$0x3FFD];
	_ =	sdelay $0x3  }
0x96: {  	_ =	strace s2  }
0x97: {  	_ =	strace $0x8FFFFFFF  }
0x98: {  	s18 =	sld [smem:$0x3FDB];
	_ =	sdelay $0x1  }
0x99: {  	s19 =	simm.s32 $_scs_section_size  }
0x9a: {  	s4 =	simm.s32 $_size__tile_overlayer_lowered;
	s5 =	simm.s32 $_tile_overlayer_lowered  }
0x9b: {  	s22 =	simm.s32 $0x1BFF;
	s21 =	sshll.u32 s5, $0x1;
	s2 =	sadd.s32 s19, s18  }
0x9c: {  	s6 =	simm.s32 $0x0;
	s20 =	sshll.u32 s4, $0x1;
	s4 =	sadd.s32 s21, s2  }
0x9d: {  	[timem:s6], [sflag:s22] =	dma.local [hbm:s4], s20  }
0x9e: {  	_ =	swait.ge [sflag:s22], s20  }
0x9f: {  	s3 =	ssub.s32 $0x0, s20;
	[sflag:s22] =	ssyncset.done $0x0  }
0xa0: {  	[sflag:s22] =	ssyncadd.s32 s3;
	_ =	sdelay $0x1  }
0xa1: {  	s23 =	simm.s32 $0x1B8B  }
0xa2: {  	_ =	swait.ge [sflag:s23], $0x1  }
0xa3: {  	[sflag:s23] =	ssyncset.done $0x0  }
0xa4: {  	s25 =	simm.s32 $0x1B8E;
	s24 =	sld [smem:$0x3FFE];
	[sflag:s23] =	ssyncadd.s32 $0xFFFFFFFF  }
0xa5: {  	s26 =	simm.s32 $execute0_lowered;
	[smem:$0x3FD2] =	sst s25  }
0xa6: {  	s4 =	sshll.u32 s26, $0x1;
	_ =	strace $0x80000049;
	[dreg:$0x1] =	wrdreg $0xFFFFFFFF  }
0xa7: {  	s28 =	simm.s32 $_size_execute0_lowered;
	s2 =	sadd.s32 s2, s4;
	[dreg:$0x0] =	wrdreg $0x0  }
0xa8: {  	s4 =	sshll.u32 s28, $0x1;
	[dreg:$0x2] =	wrdreg s2  }
0xa9: {  	[dreg:$0x3] =	wrdreg s4  }
0xaa: {  	[dreg:$0x4] =	wrdreg $0xC0  }
0xab: {  	_ =	task [dreg:s6], $0x5FFFF  }
0xac: {  	[dreg:$0x1] =	wrdreg $0xFFFFFFFF  }
0xad: {  	[dreg:$0x0] =	wrdreg $0x60  }
0xae: {  	[dreg:$0x2] =	wrdreg s24  }
0xaf: {  	[dreg:$0x3] =	wrdreg $0x114200  }
0xb0: {  	[dreg:$0x4] =	wrdreg $0x76200  }
0xb1: {  	[dreg:$0x5] =	wrdreg $0x9  }
0xb2: {  	_ =	task.clear_ibuf [dreg:s6], $0x6FFFF;
	_ =	strace $0x90000049  }
0xb3: {  	s29 =	simm.s32 $0x9;
	_ =	strace $0x8000004B  }
0xb4: {  	_ =	swait.ge [sflag:s29], $0x1  }
0xb5: {  	[sflag:s29] =	ssyncadd.s32 $0xFFFFFFFF  }
0xb6: {  	_ =	strace $0x9000004B  }
0xb7: {  	_ =	sfence  }
0xb8: {  	s30 =	sld [smem:$0x0];
	_ =	sdelay $0x2  }
0xb9: {  	s31 =	sshll.u32 s1, $0xD;
	s1 =	sshrl.u32 s1, $0x2  }
0xba: {  	s3 =	sand.u32 $0x4000, s31;
	s1 =	sadd.s32 s1, s30  }
0xbb: {  	s0 =	sor.u32 s3, s0;
	s1 =	sshll.u32 s1, $0x11  }
0xbc: {  	s0 =	sor.u32 s1, s0  }
0xbd: {  	s0 =	sadd.s32 $0x8F2B, s0  }
0xbe: {  	[sflag:s0] =	ssyncadd.remote.s32 $0x1  }
0xbf: {  	_ =	sfence.sel $0xFFFF  }
0xc0: {  	[dreg:$0x0] =	wrdreg $0xFFFFFFFF;
	(pc) =	sbr.abs _section_cstart, $3  }
0xc1: {  	[dreg:$0x1] =	wrdreg $0xFFFFFFFF  }
0xc2: {  	_ =	task.clear_ibuf [dreg:s6], $0x2FFFF;
	_ =	strace $0x9FFFFFFF  }
0xc3: {  	(tm) =	ssettm $0x7FFFFFFF  }
tec
execute0_lowered:
.L_overlay_start_1:
0x0: {  	(tag) =	ssettag $0x1  }
0x1: {  	s6 =	rddreg [dreg:$0x0]  }
0x2: {  	s1 =	rddreg [dreg:$0x1];
	s0 =	srdreg.scid  }
0x3: {  	s3 =	rddreg [dreg:$0x2];
	s2 =	stileid.u32;
	s4 =	simm.s32 $0x0  }
0x4: {  	s17 =	simm.s32 $0x1;
	s18 =	simm.s32 $0x2;
	s19 =	simm.s32 $0x3  }
0x5: {  	s20 =	simm.s32 $0x50;
	s21 =	simm.s32 $0x4E20;
	s22 =	simm.s32 $0x6220  }
0x6: {  	s23 =	simm.s32 $0x4DD0;
	s5 =	sand.u32 $0x1, s0;
	s0 =	rddreg [dreg:$0x3]  }
0x7: {  	s24 =	simm.s32 $0x0;
	s9 =	smul.u32 $0x9E00, s2;
	[smem:$0x7FF] =	sst s4  }
0x8: {  	s8 =	smul.u32 $0x13C0, s2;
	s15 =	sshll.u32 s2, $0x6;
	s7 =	sshll.u32 s5, $0x4  }
0x9: {  	_ =	strace $0x8000004A;
	s11 =	smul.u32 $0x13C00, s5;
	s12 =	ssub.s32 $0x2, s5  }
0xa: {  	s5 =	sadd.s32 $0x2D400, s6;
	s7 =	sor.u32 s2, s7;
	s10 =	sshrl.u32 s9, $0x3  }
0xb: {  	s31 =	sshrl.u32 s12, $0x1;
	s14 =	sadd.s32 s9, s1;
	s16 =	sadd.s32 s9, s3  }
0xc: {  	s7 =	smul.u32 $0x2710, s7;
	s10 =	sadd.s32 s10, s6;
	s8 =	sadd.s32 s8, s11  }
0xd: {  	s11 =	ssub.s32 s12, s31;
	s12 =	simm.s32 $0x2710;
	s13 =	sadd.s32 s8, s6  }
0xe: {  	s8 =	sor.u32 $0x1C03, s15;
	s9 =	sadd.s32 $0x19800, s10;
	s11 =	smax.u32 s11, $0x1  }
0xf: {  	s7 =	sshrl.u32 s7, $0x3;
	s10 =	sadd.s32 $0x2E800, s13;
	s13 =	sshrl.u32 s14, $0x3  }
0x10: {  	s14 =	sor.u32 $0x1C04, s15;
	s15 =	sshrl.u32 s16, $0x3;
	s7 =	sadd.s32 s7, s6  }
0x11: {  	s16 =	simm.s32 $0x4;
	s6 =	sadd.s32 $0x5E00, s7;
	s7 =	sadd.s32 $0xFA40, s7  }
.LBB2_1:
0x12: {  	[tilespmem:s4], [sflag:$0x1] =	stream.linear.gather [hbm4b:s6+s4], $0x2710, $0x38;
	[tilespmem:$0x1B220] =	vst v63  }
0x13: {  	_ = 	snop  }
0x14: {  	[tilespmem:s12], [sflag:$0x2] =	stream.linear.gather [hbm4b:s7+s4], $0x2710, $0x38;
	[tilespmem:$0x1B220] =	vst v63  }
0x15: {  	[spmem:s13], [sflag:s8] =	dma.local [hbm:s5], $0x13C0  }
0x16: {  	[spmem:s15], [sflag:s14] =	dma.local [hbm:s9], $0x13C0  }
0x17: {  	_ =	swait.ge [sflag:s16], $0x13C0  }
0x18: {  	[sflag:s16] =	ssyncset.done $0x0  }
0x19: {  	[sflag:s16] =	ssyncadd.s32 $0xFFFFEC40  }
0x1a: {  	_ =	swait.ge [sflag:s17], $0x2710  }
0x1b: {  	[sflag:s17] =	ssyncset.done $0x0  }
0x1c: {  	[sflag:s17] =	ssyncadd.s32 $0xFFFFD8F0  }
0x1d: {  	_ =	swait.ge [sflag:s18], $0x2710  }
0x1e: {  	[sflag:s18] =	ssyncset.done $0x0  }
0x1f: {  	[sflag:s18] =	ssyncadd.s32 $0xFFFFD8F0  }
0x20: {  	_ =	swait.ge [sflag:s19], $0x13C0  }
0x21: {  	[sflag:s19] =	ssyncset.done $0x0  }
0x22: {  	[sflag:s19] =	ssyncadd.s32 $0xFFFFEC40  }
0x23: {  	[bflag:$0x0] =	sbarrier.arrive $0xFFFF  }
0x24: {  	[tilespmem:s21], [sflag:$0x1] =	stream.indirect.gather [spmem:s3], $0x40, s4, s20, $0xb8;
	[tilespmem:$0x1B220] =	vst v63  }
0x25: {  	s25 =	simm.s32 $0x50  }
0x26: {  	[tilespmem:s22], [sflag:$0x2] =	stream.indirect.gather [spmem:s3], $0x40, s25, s20, $0xb8;
	[tilespmem:$0x1B220] =	vst v63  }
0x27: {  	_ =	swait.ge [sflag:s17], $0x1400  }
0x28: {  	[sflag:s17] =	ssyncset.done $0x0  }
0x29: {  	s29 =	simm.s32 $0x2710;
	[sflag:s17] =	ssyncadd.s32 $0xFFFFEC00  }
0x2a: {  	[spmem:s1] =	stream.indirect.scatter.add.f32 [tilespmem:s21], [sflag:$0x4], $0x40, s29, s20, $0xb8;
	[tilespmem:$0x1B220] =	vst v63  }
0x2b: {  	_ =	swait.ge [sflag:s16], $0x1400  }
0x2c: {  	[sflag:s16] =	ssyncset.done $0x0  }
0x2d: {  	s30 =	simm.s32 $0xA0;
	[sflag:s16] =	ssyncadd.s32 $0xFFFFEC00  }
0x2e: {  	[tilespmem:s21], [sflag:$0x1] =	stream.indirect.gather [spmem:s3], $0x40, s30, s20, $0xb8;
	[tilespmem:$0x1B220] =	vst v63  }
0x2f: {  	_ =	swait.ge [sflag:s18], $0x1400  }
0x30: {  	[sflag:s18] =	ssyncset.done $0x0  }
0x31: {  	s31 =	simm.s32 $0x2760;
	[sflag:s18] =	ssyncadd.s32 $0xFFFFEC00  }
0x32: {  	[spmem:s1] =	stream.indirect.scatter.add.f32 [tilespmem:s22], [sflag:$0x4], $0x40, s31, s20, $0xb8;
	[tilespmem:$0x1B220] =	vst v63  }
0x33: {  	_ =	swait.ge [sflag:s16], $0x1400  }
0x34: {  	s26 =	simm.s32 $0x500;
	s25 =	simm.s32 $0xA0;
	[sflag:s16] =	ssyncset.done $0x0  }
.LBB2_2:
0x35: {  	s28 =	sadd.s32 $0x50, s25  }
0x36: {  	[sflag:s16] =	ssyncadd.s32 $0xFFFFEC00;
	s29 =	smov.u32 s26;
	s30 =	sadd.s32 $0x280, s26  }
0x37: {  	[tilespmem:s22], [sflag:$0x2] =	stream.indirect.gather [spmem:s3], $0x40, s28, s20, $0xb8;
	[tilespmem:$0x1B220] =	vst v63  }
0x38: {  	p0 =	sne.s32 s26, $0x9880;
	_ =	swait.ge [sflag:s17], $0x1400  }
0x39: {  	[sflag:s17] =	ssyncset.done $0x0  }
0x3a: {  	s26 =	sadd.s32 $0x2710, s25;
	[sflag:s17] =	ssyncadd.s32 $0xFFFFEC00  }
0x3b: {  	[spmem:s1] =	stream.indirect.scatter.add.f32 [tilespmem:s21], [sflag:$0x4], $0x40, s26, s20, $0xb8;
	[tilespmem:$0x1B220] =	vst v63  }
0x3c: {  	_ =	swait.ge [sflag:s16], $0x1400  }
0x3d: {  	[sflag:s16] =	ssyncset.done $0x0  }
0x3e: {  	s26 =	sadd.s32 $0xA0, s25;
	[sflag:s16] =	ssyncadd.s32 $0xFFFFEC00  }
0x3f: {  	[tilespmem:s21], [sflag:$0x1] =	stream.indirect.gather [spmem:s3], $0x40, s26, s20, $0xb8;
	[tilespmem:$0x1B220] =	vst v63  }
0x40: {  	_ =	swait.ge [sflag:s18], $0x1400  }
.Ltmp0:
0x41: {  	[sflag:s18] =	ssyncset.done $0x0;
	(pc) =	sbr.rel @p0 .LBB2_2-.Ltmp0, $4  }
0x42: {  	s25 =	sadd.s32 $0x2760, s25;
	[sflag:s18] =	ssyncadd.s32 $0xFFFFEC00  }
0x43: {  	[spmem:s1] =	stream.indirect.scatter.add.f32 [tilespmem:s22], [sflag:$0x4], $0x40, s25, s20, $0xb8;
	[tilespmem:$0x1B220] =	vst v63  }
0x44: {  	_ =	swait.ge [sflag:s16], $0x1400  }
0x45: {  	s26 =	smov.u32 s30;
	s25 =	sshra.s32 s29, $0x2;
	[sflag:s16] =	ssyncset.done $0x0  }
0x46: {  	s26 =	sadd.s32 $0x50, s25;
	[sflag:s16] =	ssyncadd.s32 $0xFFFFEC00  }
0x47: {  	[tilespmem:s22], [sflag:$0x2] =	stream.indirect.gather [spmem:s3], $0x40, s26, s20, $0xb8;
	[tilespmem:$0x1B220] =	vst v63  }
0x48: {  	_ =	swait.ge [sflag:s17], $0x1400  }
0x49: {  	[sflag:s17] =	ssyncset.done $0x0  }
0x4a: {  	s29 =	sadd.s32 $0x2710, s25;
	[sflag:s17] =	ssyncadd.s32 $0xFFFFEC00  }
0x4b: {  	[spmem:s1] =	stream.indirect.scatter.add.f32 [tilespmem:s21], [sflag:$0x4], $0x40, s29, s20, $0xb8;
	[tilespmem:$0x1B220] =	vst v63  }
0x4c: {  	_ =	swait.ge [sflag:s16], $0x1400  }
0x4d: {  	[sflag:s16] =	ssyncset.done $0x0  }
0x4e: {  	s30 =	sadd.s32 $0xA0, s25;
	[sflag:s16] =	ssyncadd.s32 $0xFFFFEC00  }
0x4f: {  	[tilespmem:s21], [sflag:$0x1] =	stream.indirect.gather [spmem:s3], $0x40, s30, s20, $0xb8;
	[tilespmem:$0x1B220] =	vst v63  }
0x50: {  	_ =	swait.ge [sflag:s18], $0x1400  }
0x51: {  	[sflag:s18] =	ssyncset.done $0x0  }
0x52: {  	s31 =	sadd.s32 $0x2760, s25;
	[sflag:s18] =	ssyncadd.s32 $0xFFFFEC00  }
0x53: {  	[spmem:s1] =	stream.indirect.scatter.add.f32 [tilespmem:s22], [sflag:$0x4], $0x40, s31, s20, $0xb8;
	[tilespmem:$0x1B220] =	vst v63  }
0x54: {  	_ =	swait.ge [sflag:s16], $0x1400  }
0x55: {  	[sflag:s16] =	ssyncset.done $0x0  }
0x56: {  	[sflag:s16] =	ssyncadd.s32 $0xFFFFEC00  }
0x57: {  	_ =	swait.ge [sflag:s17], $0x1400  }
0x58: {  	[sflag:s17] =	ssyncset.done $0x0  }
0x59: {  	[sflag:s17] =	ssyncadd.s32 $0xFFFFEC00  }
0x5a: {  	[spmem:s1] =	stream.indirect.scatter.add.f32 [tilespmem:s21], [sflag:$0x4], $0x40, s23, s20, $0xb8;
	[tilespmem:$0x1B220] =	vst v63  }
0x5b: {  	_ =	swait.ge [sflag:s16], $0x1400  }
0x5c: {  	s24 =	sadd.s32 $0x1, s24;
	[sflag:s16] =	ssyncset.done $0x0  }
0x5d: {  	p0 =	sne.s32 s24, s11;
	[sflag:s16] =	ssyncadd.s32 $0xFFFFEC00  }
.Ltmp1:
0x5e: {  	[bflag:$0x0] =	sbarrier.arrive $0xFFFF;
	(pc) =	sbr.rel @p0 .LBB2_1-.Ltmp1, $4  }
0x5f: {  	[hbm:s10], [sflag:s14] =	dma.local [spmem:s13], $0x13C0  }
0x60: {  	_ =	swait.ge [sflag:s16], $0x13C0  }
0x61: {  	[sflag:s16] =	ssyncset.done $0x0  }
0x62: {  	[sflag:s16] =	ssyncadd.s32 $0xFFFFEC40  }
0x63: {  	_ =	sfence.sel $0x180000  }
0x64: {  	[bflag:$0x0] =	sbarrier.arrive $0xFFFF  }
0x65: {  	p0 =	sne.s32 s2, $0x0;
	_ =	strace $0x9000004A  }
0x66: {  	s0 =	sadd.s32 @!p0 $0x100000, s0;
	[bflag:$0x2] =	sbarrier.arrive $0xFFFF  }
0x67: {  	[sflag:s0] =	ssyncadd.tile.s32 @!p0 $0x1;
	_ =	shalt  }
.Lfunc_end2:
_tile_overlayer_lowered:
.L_overlay_start_2:
0x68: {  	(tag) =	ssettag $0x2  }
0x69: {  	s0 =	rddreg [dreg:$0x0];
	s2 =	stileid.u32  }
0x6a: {  	s1 =	rddreg [dreg:$0x1];
	p0 =	sne.s32 s2, $0x0  }
0x6b: {  	s3 =	rddreg [dreg:$0x2];
	[bflag:$0x3] =	sbarrier.arrive $0xFFFF;
	s2 =	simm.s32 @!p0 $0x1C04  }
0x6c: {  	[timem:s3], [sflag:s2] =	dma.local @!p0 [hbm:s0], s1  }
0x6d: {  	s0 =	simm.s32 @!p0 $0x4  }
0x6e: {  	_ =	swait.ge @!p0 [sflag:s0], s1  }
0x6f: {  	s1 =	ssub.s32 @!p0 $0x0, s1;
	[sflag:s0] =	ssyncset.done @!p0 $0x0  }
0x70: {  	[sflag:s0] =	ssyncadd.s32 @!p0 s1  }
0x71: {  	[bflag:$0x3] =	sbarrier.arrive $0xFFFF  }
0x72: {  	_ =	shalt  }

// kernel: kernel.15.cloned.1.call-start
scs
__scs_entry_jumppad:
0x0: {  	(pc) =	sbr.rel $0x88, $3  }
0x1: {  	(tag) =	ssettag $0x0;
	lr =	simm.s32 $0x1  }
0x2: {  	[smem:$0x3F82] =	sst lr;
	_ =	strace $0xD0000000  }
0x3: {  	_ = 	snop  }
0x4: {  	_ = 	snop  }
0x5: {  	_ = 	snop  }
0x6: {  	_ = 	snop  }
0x7: {  	_ = 	snop  }
__scs_overlays_trampoline_lowered:
0x8: {  	[smem:$0x3F91] =	sst s0  }
0x9: {  	[smem:$0x3F92] =	sst s1  }
0xa: {  	[smem:$0x3F93] =	sst s2  }
0xb: {  	[smem:$0x3F94] =	sst s3  }
0xc: {  	[smem:$0x3F95] =	sst s4  }
0xd: {  	[smem:$0x3F96] =	sst s5  }
0xe: {  	[smem:$0x3F97] =	sst s6  }
0xf: {  	[smem:$0x3F98] =	sst s7  }
0x10: {  	[smem:$0x3F99] =	sst s8  }
0x11: {  	[smem:$0x3F9A] =	sst s9;
	s0 =	simm.s32 @!p0 $0x0  }
0x12: {  	s1 =	sld [smem:$0x3F80];
	s0 =	simm.s32 @p0 $0x1  }
0x13: {  	[smem:$0x3F9B] =	sst s0;
	s0 =	simm.s32 @!p1 $0x0  }
0x14: {  	s2 =	sld [smem:$0x3F7F];
	s0 =	simm.s32 @p1 $0x1  }
0x15: {  	[smem:$0x3F9C] =	sst s0;
	s0 =	simm.s32 @!p2 $0x0  }
0x16: {  	s3 =	sld [smem:$0x3FDB];
	s0 =	simm.s32 @p2 $0x1  }
0x17: {  	s4 =	simm.s32 $0x1BF5;
	[smem:$0x3F9E] =	sst s0  }
0x18: {  	s0 =	sld [smem:$0x3F81];
	_ =	swait.ge [sflag:s4], $0x0  }
0x19: {  	s7 =	sld [smem:$0x3F82]  }
0x1a: {  	s8 =	sadd.s32 $0xFFFFE003, lr  }
0x1b: {  	s9 =	sadd.s32 $0xFFFFFEF7, lr;
	s5 =	simm.s32 $0xFFFFFFFF;
	p2 =	slt.u32 s8, $0xFFFFF086  }
0x1c: {  	p1 =	slt.u32 s9, $0xF7A;
	s5 =	simm.s32 @!p2 $0x0  }
0x1d: {  	s5 =	simm.s32 @p1 $0x1;
	p0 =	seq.s32 s7, s2  }
0x1e: {  	s7 =	smul.u32 @!p0 $0xF7A, s2;
	p2 =	seq.s32 @!p0 s5, $0x0  }
0x1f: {  	s9 =	smul.u32 $0xF7A, s1;
	s8 =	simm.s32 @!p0 $0x1BF5;
	p2 =	por !p2, p0  }
0x20: {  	[sflag:s8] =	ssyncset.s32 @!p0 $0xFFFFF086;
	s6 =	sadd.s32 @!p0 s3, s7;
	s7 =	simm.s32 @!p0 $0x108  }
0x21: {  	s3 =	sadd.s32 s3, s9;
	s6 =	sadd.s32 @!p0 $0x88, s6;
	s7 =	simm.s32 @p2 $0x1082  }
0x22: {  	[simem:s7], [sflag:s8] =	dma.local @!p0 [hbm:s6], $0xF7A  }
0x23: {  	s9 =	sor.u32 $0xD0000000, s2;
	s6 =	simm.s32 $0x108;
	_ =	swait.ge @!p0 [sflag:s8], $0x0  }
0x24: {  	s3 =	sadd.s32 $0x88, s3;
	s6 =	simm.s32 @!p1 $0x1082;
	[sflag:s4] =	ssyncset.s32 $0xFFFFF086  }
0x25: {  	[simem:s6], [sflag:s4] =	dma.local [hbm:s3], $0xF7A  }
0x26: {  	[smem:$0x3F82] =	sst s1;
	(tag) =	ssettag s2;
	_ =	strace s9  }
0x27: {  	s1 =	sld [smem:$0x3F92]  }
0x28: {  	s2 =	sld [smem:$0x3F93]  }
0x29: {  	s4 =	sld [smem:$0x3F95]  }
0x2a: {  	p0 =	seq.s32 s5, $0x0;
	s5 =	sld [smem:$0x3F96]  }
0x2b: {  	s6 =	sld [smem:$0x3F97]  }
0x2c: {  	s7 =	sld [smem:$0x3F98]  }
0x2d: {  	s3 =	simm.s32 $0x108;
	s8 =	sld [smem:$0x3F99]  }
0x2e: {  	s3 =	simm.s32 @!p0 $0x1082;
	s9 =	sld [smem:$0x3F9A]  }
0x2f: {  	lr =	sadd.s32 s0, s3;
	s0 =	sld [smem:$0x3F91]  }
0x30: {  	s3 =	sld [smem:$0x3F94]  }
0x31: {  	[smem:$0x3F9D] =	sst s10  }
0x32: {  	s10 =	sld [smem:$0x3F9B];
	_ =	sdelay $0x3  }
0x33: {  	p0 =	seq.s32 s10, $0x1;
	s10 =	sld [smem:$0x3F9D];
	_ =	sdelay $0x3  }
0x34: {  	[smem:$0x3F9D] =	sst s10  }
0x35: {  	s10 =	sld [smem:$0x3F9C];
	_ =	sdelay $0x3  }
0x36: {  	p1 =	seq.s32 s10, $0x1;
	s10 =	sld [smem:$0x3F9D];
	_ =	sdelay $0x3  }
0x37: {  	[smem:$0x3F9D] =	sst s10  }
0x38: {  	s10 =	sld [smem:$0x3F9E]  }
0x39: {  	_ = 	snop;
	(pc) =	sbr.ind lr, $3  }
0x3a: {  	_ = 	snop  }
0x3b: {  	_ = 	snop  }
0x3c: {  	p2 =	seq.s32 s10, $0x1;
	s10 =	sld [smem:$0x3F9D]  }
0x3d: {  	_ =	shalt  }
0x3e: {  	_ =	shalt  }
0x3f: {  	_ =	shalt  }
0x40: {  	_ =	shalt  }
0x41: {  	_ =	shalt  }
0x42: {  	_ =	shalt  }
0x43: {  	_ =	shalt  }
0x44: {  	_ =	shalt  }
0x45: {  	_ =	shalt  }
0x46: {  	_ =	shalt  }
0x47: {  	_ =	shalt  }
0x48: {  	_ =	shalt  }
0x49: {  	_ =	shalt  }
0x4a: {  	_ =	shalt  }
0x4b: {  	_ =	shalt  }
0x4c: {  	_ =	shalt  }
0x4d: {  	_ =	shalt  }
0x4e: {  	_ =	shalt  }
0x4f: {  	_ =	shalt  }
0x50: {  	_ =	shalt  }
0x51: {  	_ =	shalt  }
0x52: {  	_ =	shalt  }
0x53: {  	_ =	shalt  }
0x54: {  	_ =	shalt  }
0x55: {  	_ =	shalt  }
0x56: {  	_ =	shalt  }
0x57: {  	_ =	shalt  }
0x58: {  	_ =	shalt  }
0x59: {  	_ =	shalt  }
0x5a: {  	_ =	shalt  }
0x5b: {  	_ =	shalt  }
0x5c: {  	_ =	shalt  }
0x5d: {  	_ =	shalt  }
0x5e: {  	_ =	shalt  }
0x5f: {  	_ =	shalt  }
0x60: {  	_ =	shalt  }
0x61: {  	_ =	shalt  }
0x62: {  	_ =	shalt  }
0x63: {  	_ =	shalt  }
0x64: {  	_ =	shalt  }
0x65: {  	_ =	shalt  }
0x66: {  	_ =	shalt  }
0x67: {  	_ =	shalt  }
0x68: {  	_ =	shalt  }
0x69: {  	_ =	shalt  }
0x6a: {  	_ =	shalt  }
0x6b: {  	_ =	shalt  }
0x6c: {  	_ =	shalt  }
0x6d: {  	_ =	shalt  }
0x6e: {  	_ =	shalt  }
0x6f: {  	_ =	shalt  }
0x70: {  	_ =	shalt  }
0x71: {  	_ =	shalt  }
0x72: {  	_ =	shalt  }
0x73: {  	_ =	shalt  }
0x74: {  	_ =	shalt  }
0x75: {  	_ =	shalt  }
0x76: {  	_ =	shalt  }
0x77: {  	_ =	shalt  }
0x78: {  	_ =	shalt  }
0x79: {  	_ =	shalt  }
0x7a: {  	_ =	shalt  }
0x7b: {  	_ =	shalt  }
0x7c: {  	_ =	shalt  }
0x7d: {  	_ =	shalt  }
0x7e: {  	_ =	shalt  }
0x7f: {  	_ =	shalt  }
0x80: {  	_ =	shalt  }
0x81: {  	_ =	shalt  }
0x82: {  	_ =	shalt  }
0x83: {  	_ =	shalt  }
0x84: {  	_ =	shalt  }
0x85: {  	_ =	shalt  }
0x86: {  	_ =	shalt  }
0x87: {  	_ =	shalt  }
.Lfunc_end0:
.L_simem_size_0:
called_computation.2_lowered:
.L_overlay_start_0:
0x88: {  	s2 =	sld [smem:$0x3FD9]  }
0x89: {  	s3 =	sld [smem:$0x3FFE];
	_ =	sdelay $0x1  }
0x8a: {  	s1 =	srdreg.scid  }
0x8b: {  	s0 =	sand.u32 $0x1, s1  }
0x8c: {  	s16 =	sshll.u32 s0, $0xA;
	s2 =	sadd.s32 s3, s2  }
0x8d: {  	s2 =	sadd.s32 s2, s16  }
0x8e: {  	[smem:$0x3FA9] =	sst s2  }
0x8f: {  	_ = 	snop  }
0x90: {  	(tm) =	ssettm $0x1  }
0x91: {  	s17 =	sld [smem:$0x3FFB];
	_ =	sdelay $0x3  }
0x92: {  	_ =	strace s17  }
0x93: {  	s2 =	sld [smem:$0x3FFC];
	_ =	sdelay $0x3  }
0x94: {  	_ =	strace s2  }
0x95: {  	s2 =	sld [smem:$0x3FFD];
	_ =	sdelay $0x3  }
0x96: {  	_ =	strace s2  }
0x97: {  	_ =	strace $0x8FFFFFFF  }
0x98: {  	s18 =	sld [smem:$0x3FDB];
	_ =	sdelay $0x1  }
0x99: {  	s19 =	simm.s32 $_scs_section_size  }
0x9a: {  	s4 =	simm.s32 $_size__tile_overlayer_lowered;
	s5 =	simm.s32 $_tile_overlayer_lowered  }
0x9b: {  	s22 =	simm.s32 $0x1BFF;
	s21 =	sshll.u32 s5, $0x1;
	s2 =	sadd.s32 s19, s18  }
0x9c: {  	s6 =	simm.s32 $0x0;
	s20 =	sshll.u32 s4, $0x1;
	s4 =	sadd.s32 s21, s2  }
0x9d: {  	[timem:s6], [sflag:s22] =	dma.local [hbm:s4], s20  }
0x9e: {  	_ =	swait.ge [sflag:s22], s20  }
0x9f: {  	s3 =	ssub.s32 $0x0, s20;
	[sflag:s22] =	ssyncset.done $0x0  }
0xa0: {  	[sflag:s22] =	ssyncadd.s32 s3;
	_ =	sdelay $0x1  }
0xa1: {  	s23 =	simm.s32 $0x1B8B  }
0xa2: {  	_ =	swait.ge [sflag:s23], $0x1  }
0xa3: {  	[sflag:s23] =	ssyncset.done $0x0  }
0xa4: {  	s25 =	simm.s32 $0x1B8E;
	s24 =	sld [smem:$0x3FFE];
	[sflag:s23] =	ssyncadd.s32 $0xFFFFFFFF  }
0xa5: {  	s26 =	simm.s32 $execute0_lowered;
	[smem:$0x3FD2] =	sst s25  }
0xa6: {  	s4 =	sshll.u32 s26, $0x1;
	_ =	strace $0x8000004C;
	[dreg:$0x1] =	wrdreg $0xFFFFFFFF  }
0xa7: {  	s28 =	simm.s32 $_size_execute0_lowered;
	s2 =	sadd.s32 s2, s4;
	[dreg:$0x0] =	wrdreg $0x0  }
0xa8: {  	s4 =	sshll.u32 s28, $0x1;
	[dreg:$0x2] =	wrdreg s2  }
0xa9: {  	[dreg:$0x3] =	wrdreg s4  }
0xaa: {  	[dreg:$0x4] =	wrdreg $0xC0  }
0xab: {  	_ =	task [dreg:s6], $0x5FFFF  }
0xac: {  	[dreg:$0x1] =	wrdreg $0xFFFFFFFF  }
0xad: {  	[dreg:$0x0] =	wrdreg $0x60  }
0xae: {  	[dreg:$0x2] =	wrdreg s24  }
0xaf: {  	[dreg:$0x3] =	wrdreg $0x114200  }
0xb0: {  	[dreg:$0x4] =	wrdreg $0x76200  }
0xb1: {  	[dreg:$0x5] =	wrdreg $0x9  }
0xb2: {  	_ =	task.clear_ibuf [dreg:s6], $0x6FFFF;
	_ =	strace $0x9000004C  }
0xb3: {  	s29 =	simm.s32 $0x9;
	_ =	strace $0x8000004E  }
0xb4: {  	_ =	swait.ge [sflag:s29], $0x1  }
0xb5: {  	[sflag:s29] =	ssyncadd.s32 $0xFFFFFFFF  }
0xb6: {  	_ =	strace $0x9000004E  }
0xb7: {  	_ =	sfence  }
0xb8: {  	s30 =	sld [smem:$0x0];
	_ =	sdelay $0x2  }
0xb9: {  	s31 =	sshll.u32 s1, $0xD;
	s1 =	sshrl.u32 s1, $0x2  }
0xba: {  	s3 =	sand.u32 $0x4000, s31;
	s1 =	sadd.s32 s1, s30  }
0xbb: {  	s0 =	sor.u32 s3, s0;
	s1 =	sshll.u32 s1, $0x11  }
0xbc: {  	s0 =	sor.u32 s1, s0  }
0xbd: {  	s0 =	sadd.s32 $0x8F2B, s0  }
0xbe: {  	[sflag:s0] =	ssyncadd.remote.s32 $0x1  }
0xbf: {  	_ =	sfence.sel $0xFFFF  }
0xc0: {  	[dreg:$0x0] =	wrdreg $0xFFFFFFFF;
	(pc) =	sbr.abs _section_cstart, $3  }
0xc1: {  	[dreg:$0x1] =	wrdreg $0xFFFFFFFF  }
0xc2: {  	_ =	task.clear_ibuf [dreg:s6], $0x2FFFF;
	_ =	strace $0x9FFFFFFF  }
0xc3: {  	(tm) =	ssettm $0x7FFFFFFF  }
tec
execute0_lowered:
.L_overlay_start_1:
0x0: {  	(tag) =	ssettag $0x1  }
0x1: {  	s6 =	rddreg [dreg:$0x0]  }
0x2: {  	s1 =	rddreg [dreg:$0x1];
	s0 =	srdreg.scid  }
0x3: {  	s3 =	rddreg [dreg:$0x2];
	s2 =	stileid.u32;
	s4 =	simm.s32 $0x0  }
0x4: {  	s17 =	simm.s32 $0x1;
	s18 =	simm.s32 $0x2;
	s19 =	simm.s32 $0x3  }
0x5: {  	s20 =	simm.s32 $0x50;
	s21 =	simm.s32 $0x4E20;
	s22 =	simm.s32 $0x6220  }
0x6: {  	s23 =	simm.s32 $0x4DD0;
	s5 =	sand.u32 $0x1, s0;
	s0 =	rddreg [dreg:$0x3]  }
0x7: {  	s24 =	simm.s32 $0x0;
	s9 =	smul.u32 $0x9E00, s2;
	[smem:$0x7FF] =	sst s4  }
0x8: {  	s8 =	smul.u32 $0x13C0, s2;
	s15 =	sshll.u32 s2, $0x6;
	s7 =	sshll.u32 s5, $0x4  }
0x9: {  	_ =	strace $0x8000004D;
	s11 =	smul.u32 $0x13C00, s5;
	s12 =	ssub.s32 $0x2, s5  }
0xa: {  	s5 =	sadd.s32 $0x2D400, s6;
	s7 =	sor.u32 s2, s7;
	s10 =	sshrl.u32 s9, $0x3  }
0xb: {  	s31 =	sshrl.u32 s12, $0x1;
	s14 =	sadd.s32 s9, s1;
	s16 =	sadd.s32 s9, s3  }
0xc: {  	s7 =	smul.u32 $0x2710, s7;
	s10 =	sadd.s32 s10, s6;
	s8 =	sadd.s32 s8, s11  }
0xd: {  	s11 =	ssub.s32 s12, s31;
	s12 =	simm.s32 $0x2710;
	s13 =	sadd.s32 s8, s6  }
0xe: {  	s8 =	sor.u32 $0x1C03, s15;
	s9 =	sadd.s32 $0x19800, s10;
	s11 =	smax.u32 s11, $0x1  }
0xf: {  	s7 =	sshrl.u32 s7, $0x3;
	s10 =	sadd.s32 $0x2E800, s13;
	s13 =	sshrl.u32 s14, $0x3  }
0x10: {  	s14 =	sor.u32 $0x1C04, s15;
	s15 =	sshrl.u32 s16, $0x3;
	s7 =	sadd.s32 s7, s6  }
0x11: {  	s16 =	simm.s32 $0x4;
	s6 =	sadd.s32 $0x5E00, s7;
	s7 =	sadd.s32 $0xFA40, s7  }
.LBB2_1:
0x12: {  	[tilespmem:s4], [sflag:$0x1] =	stream.linear.gather [hbm4b:s6+s4], $0x2710, $0x38;
	[tilespmem:$0x1B220] =	vst v63  }
0x13: {  	_ = 	snop  }
0x14: {  	[tilespmem:s12], [sflag:$0x2] =	stream.linear.gather [hbm4b:s7+s4], $0x2710, $0x38;
	[tilespmem:$0x1B220] =	vst v63  }
0x15: {  	[spmem:s13], [sflag:s8] =	dma.local [hbm:s5], $0x13C0  }
0x16: {  	[spmem:s15], [sflag:s14] =	dma.local [hbm:s9], $0x13C0  }
0x17: {  	_ =	swait.ge [sflag:s16], $0x13C0  }
0x18: {  	[sflag:s16] =	ssyncset.done $0x0  }
0x19: {  	[sflag:s16] =	ssyncadd.s32 $0xFFFFEC40  }
0x1a: {  	_ =	swait.ge [sflag:s17], $0x2710  }
0x1b: {  	[sflag:s17] =	ssyncset.done $0x0  }
0x1c: {  	[sflag:s17] =	ssyncadd.s32 $0xFFFFD8F0  }
0x1d: {  	_ =	swait.ge [sflag:s18], $0x2710  }
0x1e: {  	[sflag:s18] =	ssyncset.done $0x0  }
0x1f: {  	[sflag:s18] =	ssyncadd.s32 $0xFFFFD8F0  }
0x20: {  	_ =	swait.ge [sflag:s19], $0x13C0  }
0x21: {  	[sflag:s19] =	ssyncset.done $0x0  }
0x22: {  	[sflag:s19] =	ssyncadd.s32 $0xFFFFEC40  }
0x23: {  	[bflag:$0x0] =	sbarrier.arrive $0xFFFF  }
0x24: {  	[tilespmem:s21], [sflag:$0x1] =	stream.indirect.gather [spmem:s3], $0x40, s4, s20, $0xb8;
	[tilespmem:$0x1B220] =	vst v63  }
0x25: {  	s25 =	simm.s32 $0x50  }
0x26: {  	[tilespmem:s22], [sflag:$0x2] =	stream.indirect.gather [spmem:s3], $0x40, s25, s20, $0xb8;
	[tilespmem:$0x1B220] =	vst v63  }
0x27: {  	_ =	swait.ge [sflag:s17], $0x1400  }
0x28: {  	[sflag:s17] =	ssyncset.done $0x0  }
0x29: {  	s29 =	simm.s32 $0x2710;
	[sflag:s17] =	ssyncadd.s32 $0xFFFFEC00  }
0x2a: {  	[spmem:s1] =	stream.indirect.scatter.add.f32 [tilespmem:s21], [sflag:$0x4], $0x40, s29, s20, $0xb8;
	[tilespmem:$0x1B220] =	vst v63  }
0x2b: {  	_ =	swait.ge [sflag:s16], $0x1400  }
0x2c: {  	[sflag:s16] =	ssyncset.done $0x0  }
0x2d: {  	s30 =	simm.s32 $0xA0;
	[sflag:s16] =	ssyncadd.s32 $0xFFFFEC00  }
0x2e: {  	[tilespmem:s21], [sflag:$0x1] =	stream.indirect.gather [spmem:s3], $0x40, s30, s20, $0xb8;
	[tilespmem:$0x1B220] =	vst v63  }
0x2f: {  	_ =	swait.ge [sflag:s18], $0x1400  }
0x30: {  	[sflag:s18] =	ssyncset.done $0x0  }
0x31: {  	s31 =	simm.s32 $0x2760;
	[sflag:s18] =	ssyncadd.s32 $0xFFFFEC00  }
0x32: {  	[spmem:s1] =	stream.indirect.scatter.add.f32 [tilespmem:s22], [sflag:$0x4], $0x40, s31, s20, $0xb8;
	[tilespmem:$0x1B220] =	vst v63  }
0x33: {  	_ =	swait.ge [sflag:s16], $0x1400  }
0x34: {  	s26 =	simm.s32 $0x500;
	s25 =	simm.s32 $0xA0;
	[sflag:s16] =	ssyncset.done $0x0  }
.LBB2_2:
0x35: {  	s28 =	sadd.s32 $0x50, s25  }
0x36: {  	[sflag:s16] =	ssyncadd.s32 $0xFFFFEC00;
	s29 =	smov.u32 s26;
	s30 =	sadd.s32 $0x280, s26  }
0x37: {  	[tilespmem:s22], [sflag:$0x2] =	stream.indirect.gather [spmem:s3], $0x40, s28, s20, $0xb8;
	[tilespmem:$0x1B220] =	vst v63  }
0x38: {  	p0 =	sne.s32 s26, $0x9880;
	_ =	swait.ge [sflag:s17], $0x1400  }
0x39: {  	[sflag:s17] =	ssyncset.done $0x0  }
0x3a: {  	s26 =	sadd.s32 $0x2710, s25;
	[sflag:s17] =	ssyncadd.s32 $0xFFFFEC00  }
0x3b: {  	[spmem:s1] =	stream.indirect.scatter.add.f32 [tilespmem:s21], [sflag:$0x4], $0x40, s26, s20, $0xb8;
	[tilespmem:$0x1B220] =	vst v63  }
0x3c: {  	_ =	swait.ge [sflag:s16], $0x1400  }
0x3d: {  	[sflag:s16] =	ssyncset.done $0x0  }
0x3e: {  	s26 =	sadd.s32 $0xA0, s25;
	[sflag:s16] =	ssyncadd.s32 $0xFFFFEC00  }
0x3f: {  	[tilespmem:s21], [sflag:$0x1] =	stream.indirect.gather [spmem:s3], $0x40, s26, s20, $0xb8;
	[tilespmem:$0x1B220] =	vst v63  }
0x40: {  	_ =	swait.ge [sflag:s18], $0x1400  }
.Ltmp0:
0x41: {  	[sflag:s18] =	ssyncset.done $0x0;
	(pc) =	sbr.rel @p0 .LBB2_2-.Ltmp0, $4  }
0x42: {  	s25 =	sadd.s32 $0x2760, s25;
	[sflag:s18] =	ssyncadd.s32 $0xFFFFEC00  }
0x43: {  	[spmem:s1] =	stream.indirect.scatter.add.f32 [tilespmem:s22], [sflag:$0x4], $0x40, s25, s20, $0xb8;
	[tilespmem:$0x1B220] =	vst v63  }
0x44: {  	_ =	swait.ge [sflag:s16], $0x1400  }
0x45: {  	s26 =	smov.u32 s30;
	s25 =	sshra.s32 s29, $0x2;
	[sflag:s16] =	ssyncset.done $0x0  }
0x46: {  	s26 =	sadd.s32 $0x50, s25;
	[sflag:s16] =	ssyncadd.s32 $0xFFFFEC00  }
0x47: {  	[tilespmem:s22], [sflag:$0x2] =	stream.indirect.gather [spmem:s3], $0x40, s26, s20, $0xb8;
	[tilespmem:$0x1B220] =	vst v63  }
0x48: {  	_ =	swait.ge [sflag:s17], $0x1400  }
0x49: {  	[sflag:s17] =	ssyncset.done $0x0  }
0x4a: {  	s29 =	sadd.s32 $0x2710, s25;
	[sflag:s17] =	ssyncadd.s32 $0xFFFFEC00  }
0x4b: {  	[spmem:s1] =	stream.indirect.scatter.add.f32 [tilespmem:s21], [sflag:$0x4], $0x40, s29, s20, $0xb8;
	[tilespmem:$0x1B220] =	vst v63  }
0x4c: {  	_ =	swait.ge [sflag:s16], $0x1400  }
0x4d: {  	[sflag:s16] =	ssyncset.done $0x0  }
0x4e: {  	s30 =	sadd.s32 $0xA0, s25;
	[sflag:s16] =	ssyncadd.s32 $0xFFFFEC00  }
0x4f: {  	[tilespmem:s21], [sflag:$0x1] =	stream.indirect.gather [spmem:s3], $0x40, s30, s20, $0xb8;
	[tilespmem:$0x1B220] =	vst v63  }
0x50: {  	_ =	swait.ge [sflag:s18], $0x1400  }
0x51: {  	[sflag:s18] =	ssyncset.done $0x0  }
0x52: {  	s31 =	sadd.s32 $0x2760, s25;
	[sflag:s18] =	ssyncadd.s32 $0xFFFFEC00  }
0x53: {  	[spmem:s1] =	stream.indirect.scatter.add.f32 [tilespmem:s22], [sflag:$0x4], $0x40, s31, s20, $0xb8;
	[tilespmem:$0x1B220] =	vst v63  }
0x54: {  	_ =	swait.ge [sflag:s16], $0x1400  }
0x55: {  	[sflag:s16] =	ssyncset.done $0x0  }
0x56: {  	[sflag:s16] =	ssyncadd.s32 $0xFFFFEC00  }
0x57: {  	_ =	swait.ge [sflag:s17], $0x1400  }
0x58: {  	[sflag:s17] =	ssyncset.done $0x0  }
0x59: {  	[sflag:s17] =	ssyncadd.s32 $0xFFFFEC00  }
0x5a: {  	[spmem:s1] =	stream.indirect.scatter.add.f32 [tilespmem:s21], [sflag:$0x4], $0x40, s23, s20, $0xb8;
	[tilespmem:$0x1B220] =	vst v63  }
0x5b: {  	_ =	swait.ge [sflag:s16], $0x1400  }
0x5c: {  	s24 =	sadd.s32 $0x1, s24;
	[sflag:s16] =	ssyncset.done $0x0  }
0x5d: {  	p0 =	sne.s32 s24, s11;
	[sflag:s16] =	ssyncadd.s32 $0xFFFFEC00  }
.Ltmp1:
0x5e: {  	[bflag:$0x0] =	sbarrier.arrive $0xFFFF;
	(pc) =	sbr.rel @p0 .LBB2_1-.Ltmp1, $4  }
0x5f: {  	[hbm:s10], [sflag:s14] =	dma.local [spmem:s13], $0x13C0  }
0x60: {  	_ =	swait.ge [sflag:s16], $0x13C0  }
0x61: {  	[sflag:s16] =	ssyncset.done $0x0  }
0x62: {  	[sflag:s16] =	ssyncadd.s32 $0xFFFFEC40  }
0x63: {  	_ =	sfence.sel $0x180000  }
0x64: {  	[bflag:$0x0] =	sbarrier.arrive $0xFFFF  }
0x65: {  	p0 =	sne.s32 s2, $0x0;
	_ =	strace $0x9000004D  }
0x66: {  	s0 =	sadd.s32 @!p0 $0x100000, s0;
	[bflag:$0x2] =	sbarrier.arrive $0xFFFF  }
0x67: {  	[sflag:s0] =	ssyncadd.tile.s32 @!p0 $0x1;
	_ =	shalt  }
.Lfunc_end2:
_tile_overlayer_lowered:
.L_overlay_start_2:
0x68: {  	(tag) =	ssettag $0x2  }
0x69: {  	s0 =	rddreg [dreg:$0x0];
	s2 =	stileid.u32  }
0x6a: {  	s1 =	rddreg [dreg:$0x1];
	p0 =	sne.s32 s2, $0x0  }
0x6b: {  	s3 =	rddreg [dreg:$0x2];
	[bflag:$0x3] =	sbarrier.arrive $0xFFFF;
	s2 =	simm.s32 @!p0 $0x1C04  }
0x6c: {  	[timem:s3], [sflag:s2] =	dma.local @!p0 [hbm:s0], s1  }
0x6d: {  	s0 =	simm.s32 @!p0 $0x4  }
0x6e: {  	_ =	swait.ge @!p0 [sflag:s0], s1  }
0x6f: {  	s1 =	ssub.s32 @!p0 $0x0, s1;
	[sflag:s0] =	ssyncset.done @!p0 $0x0  }
0x70: {  	[sflag:s0] =	ssyncadd.s32 @!p0 s1  }
0x71: {  	[bflag:$0x3] =	sbarrier.arrive $0xFFFF  }
0x72: {  	_ =	shalt  }

// kernel: kernel.9.cloned.1.call-start
scs
__scs_entry_jumppad:
0x0: {  	(pc) =	sbr.rel $0x88, $3  }
0x1: {  	(tag) =	ssettag $0x0;
	lr =	simm.s32 $0x1  }
0x2: {  	[smem:$0x3F82] =	sst lr;
	_ =	strace $0xD0000000  }
0x3: {  	_ = 	snop  }
0x4: {  	_ = 	snop  }
0x5: {  	_ = 	snop  }
0x6: {  	_ = 	snop  }
0x7: {  	_ = 	snop  }
__scs_overlays_trampoline_lowered:
0x8: {  	[smem:$0x3F91] =	sst s0  }
0x9: {  	[smem:$0x3F92] =	sst s1  }
0xa: {  	[smem:$0x3F93] =	sst s2  }
0xb: {  	[smem:$0x3F94] =	sst s3  }
0xc: {  	[smem:$0x3F95] =	sst s4  }
0xd: {  	[smem:$0x3F96] =	sst s5  }
0xe: {  	[smem:$0x3F97] =	sst s6  }
0xf: {  	[smem:$0x3F98] =	sst s7  }
0x10: {  	[smem:$0x3F99] =	sst s8  }
0x11: {  	[smem:$0x3F9A] =	sst s9;
	s0 =	simm.s32 @!p0 $0x0  }
0x12: {  	s1 =	sld [smem:$0x3F80];
	s0 =	simm.s32 @p0 $0x1  }
0x13: {  	[smem:$0x3F9B] =	sst s0;
	s0 =	simm.s32 @!p1 $0x0  }
0x14: {  	s2 =	sld [smem:$0x3F7F];
	s0 =	simm.s32 @p1 $0x1  }
0x15: {  	[smem:$0x3F9C] =	sst s0;
	s0 =	simm.s32 @!p2 $0x0  }
0x16: {  	s3 =	sld [smem:$0x3FDB];
	s0 =	simm.s32 @p2 $0x1  }
0x17: {  	s4 =	simm.s32 $0x1BF5;
	[smem:$0x3F9E] =	sst s0  }
0x18: {  	s0 =	sld [smem:$0x3F81];
	_ =	swait.ge [sflag:s4], $0x0  }
0x19: {  	s7 =	sld [smem:$0x3F82]  }
0x1a: {  	s8 =	sadd.s32 $0xFFFFE003, lr  }
0x1b: {  	s9 =	sadd.s32 $0xFFFFFEF7, lr;
	s5 =	simm.s32 $0xFFFFFFFF;
	p2 =	slt.u32 s8, $0xFFFFF086  }
0x1c: {  	p1 =	slt.u32 s9, $0xF7A;
	s5 =	simm.s32 @!p2 $0x0  }
0x1d: {  	s5 =	simm.s32 @p1 $0x1;
	p0 =	seq.s32 s7, s2  }
0x1e: {  	s7 =	smul.u32 @!p0 $0xF7A, s2;
	p2 =	seq.s32 @!p0 s5, $0x0  }
0x1f: {  	s9 =	smul.u32 $0xF7A, s1;
	s8 =	simm.s32 @!p0 $0x1BF5;
	p2 =	por !p2, p0  }
0x20: {  	[sflag:s8] =	ssyncset.s32 @!p0 $0xFFFFF086;
	s6 =	sadd.s32 @!p0 s3, s7;
	s7 =	simm.s32 @!p0 $0x108  }
0x21: {  	s3 =	sadd.s32 s3, s9;
	s6 =	sadd.s32 @!p0 $0x88, s6;
	s7 =	simm.s32 @p2 $0x1082  }
0x22: {  	[simem:s7], [sflag:s8] =	dma.local @!p0 [hbm:s6], $0xF7A  }
0x23: {  	s9 =	sor.u32 $0xD0000000, s2;
	s6 =	simm.s32 $0x108;
	_ =	swait.ge @!p0 [sflag:s8], $0x0  }
0x24: {  	s3 =	sadd.s32 $0x88, s3;
	s6 =	simm.s32 @!p1 $0x1082;
	[sflag:s4] =	ssyncset.s32 $0xFFFFF086  }
0x25: {  	[simem:s6], [sflag:s4] =	dma.local [hbm:s3], $0xF7A  }
0x26: {  	[smem:$0x3F82] =	sst s1;
	(tag) =	ssettag s2;
	_ =	strace s9  }
0x27: {  	s1 =	sld [smem:$0x3F92]  }
0x28: {  	s2 =	sld [smem:$0x3F93]  }
0x29: {  	s4 =	sld [smem:$0x3F95]  }
0x2a: {  	p0 =	seq.s32 s5, $0x0;
	s5 =	sld [smem:$0x3F96]  }
0x2b: {  	s6 =	sld [smem:$0x3F97]  }
0x2c: {  	s7 =	sld [smem:$0x3F98]  }
0x2d: {  	s3 =	simm.s32 $0x108;
	s8 =	sld [smem:$0x3F99]  }
0x2e: {  	s3 =	simm.s32 @!p0 $0x1082;
	s9 =	sld [smem:$0x3F9A]  }
0x2f: {  	lr =	sadd.s32 s0, s3;
	s0 =	sld [smem:$0x3F91]  }
0x30: {  	s3 =	sld [smem:$0x3F94]  }
0x31: {  	[smem:$0x3F9D] =	sst s10  }
0x32: {  	s10 =	sld [smem:$0x3F9B];
	_ =	sdelay $0x3  }
0x33: {  	p0 =	seq.s32 s10, $0x1;
	s10 =	sld [smem:$0x3F9D];
	_ =	sdelay $0x3  }
0x34: {  	[smem:$0x3F9D] =	sst s10  }
0x35: {  	s10 =	sld [smem:$0x3F9C];
	_ =	sdelay $0x3  }
0x36: {  	p1 =	seq.s32 s10, $0x1;
	s10 =	sld [smem:$0x3F9D];
	_ =	sdelay $0x3  }
0x37: {  	[smem:$0x3F9D] =	sst s10  }
0x38: {  	s10 =	sld [smem:$0x3F9E]  }
0x39: {  	_ = 	snop;
	(pc) =	sbr.ind lr, $3  }
0x3a: {  	_ = 	snop  }
0x3b: {  	_ = 	snop  }
0x3c: {  	p2 =	seq.s32 s10, $0x1;
	s10 =	sld [smem:$0x3F9D]  }
0x3d: {  	_ =	shalt  }
0x3e: {  	_ =	shalt  }
0x3f: {  	_ =	shalt  }
0x40: {  	_ =	shalt  }
0x41: {  	_ =	shalt  }
0x42: {  	_ =	shalt  }
0x43: {  	_ =	shalt  }
0x44: {  	_ =	shalt  }
0x45: {  	_ =	shalt  }
0x46: {  	_ =	shalt  }
0x47: {  	_ =	shalt  }
0x48: {  	_ =	shalt  }
0x49: {  	_ =	shalt  }
0x4a: {  	_ =	shalt  }
0x4b: {  	_ =	shalt  }
0x4c: {  	_ =	shalt  }
0x4d: {  	_ =	shalt  }
0x4e: {  	_ =	shalt  }
0x4f: {  	_ =	shalt  }
0x50: {  	_ =	shalt  }
0x51: {  	_ =	shalt  }
0x52: {  	_ =	shalt  }
0x53: {  	_ =	shalt  }
0x54: {  	_ =	shalt  }
0x55: {  	_ =	shalt  }
0x56: {  	_ =	shalt  }
0x57: {  	_ =	shalt  }
0x58: {  	_ =	shalt  }
0x59: {  	_ =	shalt  }
0x5a: {  	_ =	shalt  }
0x5b: {  	_ =	shalt  }
0x5c: {  	_ =	shalt  }
0x5d: {  	_ =	shalt  }
0x5e: {  	_ =	shalt  }
0x5f: {  	_ =	shalt  }
0x60: {  	_ =	shalt  }
0x61: {  	_ =	shalt  }
0x62: {  	_ =	shalt  }
0x63: {  	_ =	shalt  }
0x64: {  	_ =	shalt  }
0x65: {  	_ =	shalt  }
0x66: {  	_ =	shalt  }
0x67: {  	_ =	shalt  }
0x68: {  	_ =	shalt  }
0x69: {  	_ =	shalt  }
0x6a: {  	_ =	shalt  }
0x6b: {  	_ =	shalt  }
0x6c: {  	_ =	shalt  }
0x6d: {  	_ =	shalt  }
0x6e: {  	_ =	shalt  }
0x6f: {  	_ =	shalt  }
0x70: {  	_ =	shalt  }
0x71: {  	_ =	shalt  }
0x72: {  	_ =	shalt  }
0x73: {  	_ =	shalt  }
0x74: {  	_ =	shalt  }
0x75: {  	_ =	shalt  }
0x76: {  	_ =	shalt  }
0x77: {  	_ =	shalt  }
0x78: {  	_ =	shalt  }
0x79: {  	_ =	shalt  }
0x7a: {  	_ =	shalt  }
0x7b: {  	_ =	shalt  }
0x7c: {  	_ =	shalt  }
0x7d: {  	_ =	shalt  }
0x7e: {  	_ =	shalt  }
0x7f: {  	_ =	shalt  }
0x80: {  	_ =	shalt  }
0x81: {  	_ =	shalt  }
0x82: {  	_ =	shalt  }
0x83: {  	_ =	shalt  }
0x84: {  	_ =	shalt  }
0x85: {  	_ =	shalt  }
0x86: {  	_ =	shalt  }
0x87: {  	_ =	shalt  }
.Lfunc_end0:
.L_simem_size_0:
called_computation_lowered:
.L_overlay_start_0:
0x88: {  	s2 =	sld [smem:$0x3FD9]  }
0x89: {  	s3 =	sld [smem:$0x3FFE];
	_ =	sdelay $0x1  }
0x8a: {  	s1 =	srdreg.scid  }
0x8b: {  	s0 =	sand.u32 $0x1, s1  }
0x8c: {  	s16 =	sshll.u32 s0, $0xA;
	s2 =	sadd.s32 s3, s2  }
0x8d: {  	s2 =	sadd.s32 s2, s16  }
0x8e: {  	[smem:$0x3FA9] =	sst s2  }
0x8f: {  	_ = 	snop  }
0x90: {  	(tm) =	ssettm $0x1  }
0x91: {  	s17 =	sld [smem:$0x3FFB];
	_ =	sdelay $0x3  }
0x92: {  	_ =	strace s17  }
0x93: {  	s2 =	sld [smem:$0x3FFC];
	_ =	sdelay $0x3  }
0x94: {  	_ =	strace s2  }
0x95: {  	s2 =	sld [smem:$0x3FFD];
	_ =	sdelay $0x3  }
0x96: {  	_ =	strace s2  }
0x97: {  	_ =	strace $0x8FFFFFFF  }
0x98: {  	s18 =	sld [smem:$0x3FDB];
	_ =	sdelay $0x1  }
0x99: {  	s19 =	simm.s32 $_scs_section_size  }
0x9a: {  	s4 =	simm.s32 $_size__tile_overlayer_lowered;
	s5 =	simm.s32 $_tile_overlayer_lowered  }
0x9b: {  	s22 =	simm.s32 $0x1BFF;
	s21 =	sshll.u32 s5, $0x1;
	s2 =	sadd.s32 s19, s18  }
0x9c: {  	s6 =	simm.s32 $0x0;
	s20 =	sshll.u32 s4, $0x1;
	s4 =	sadd.s32 s21, s2  }
0x9d: {  	[timem:s6], [sflag:s22] =	dma.local [hbm:s4], s20  }
0x9e: {  	_ =	swait.ge [sflag:s22], s20  }
0x9f: {  	s3 =	ssub.s32 $0x0, s20;
	[sflag:s22] =	ssyncset.done $0x0  }
0xa0: {  	[sflag:s22] =	ssyncadd.s32 s3;
	_ =	sdelay $0x1  }
0xa1: {  	s23 =	simm.s32 $0x1B8B  }
0xa2: {  	_ =	swait.ge [sflag:s23], $0x1  }
0xa3: {  	[sflag:s23] =	ssyncset.done $0x0  }
0xa4: {  	s25 =	simm.s32 $0x1B8E;
	s24 =	sld [smem:$0x3FFE];
	[sflag:s23] =	ssyncadd.s32 $0xFFFFFFFF  }
0xa5: {  	s26 =	simm.s32 $execute0_lowered;
	[smem:$0x3FD2] =	sst s25  }
0xa6: {  	s4 =	sshll.u32 s26, $0x1;
	_ =	strace $0x80000046;
	[dreg:$0x1] =	wrdreg $0xFFFFFFFF  }
0xa7: {  	s28 =	simm.s32 $_size_execute0_lowered;
	s2 =	sadd.s32 s2, s4;
	[dreg:$0x0] =	wrdreg $0x0  }
0xa8: {  	s4 =	sshll.u32 s28, $0x1;
	[dreg:$0x2] =	wrdreg s2  }
0xa9: {  	[dreg:$0x3] =	wrdreg s4  }
0xaa: {  	[dreg:$0x4] =	wrdreg $0xC0  }
0xab: {  	_ =	task [dreg:s6], $0x5FFFF  }
0xac: {  	[dreg:$0x1] =	wrdreg $0xFFFFFFFF  }
0xad: {  	[dreg:$0x0] =	wrdreg $0x60  }
0xae: {  	[dreg:$0x2] =	wrdreg s24  }
0xaf: {  	[dreg:$0x3] =	wrdreg $0x114200  }
0xb0: {  	[dreg:$0x4] =	wrdreg $0x76200  }
0xb1: {  	[dreg:$0x5] =	wrdreg $0x9  }
0xb2: {  	_ =	task.clear_ibuf [dreg:s6], $0x6FFFF;
	_ =	strace $0x90000046  }
0xb3: {  	s29 =	simm.s32 $0x9;
	_ =	strace $0x80000048  }
0xb4: {  	_ =	swait.ge [sflag:s29], $0x1  }
0xb5: {  	[sflag:s29] =	ssyncadd.s32 $0xFFFFFFFF  }
0xb6: {  	_ =	strace $0x90000048  }
0xb7: {  	_ =	sfence  }
0xb8: {  	s30 =	sld [smem:$0x0];
	_ =	sdelay $0x2  }
0xb9: {  	s31 =	sshll.u32 s1, $0xD;
	s1 =	sshrl.u32 s1, $0x2  }
0xba: {  	s3 =	sand.u32 $0x4000, s31;
	s1 =	sadd.s32 s1, s30  }
0xbb: {  	s0 =	sor.u32 s3, s0;
	s1 =	sshll.u32 s1, $0x11  }
0xbc: {  	s0 =	sor.u32 s1, s0  }
0xbd: {  	s0 =	sadd.s32 $0x8F2B, s0  }
0xbe: {  	[sflag:s0] =	ssyncadd.remote.s32 $0x1  }
0xbf: {  	_ =	sfence.sel $0xFFFF  }
0xc0: {  	[dreg:$0x0] =	wrdreg $0xFFFFFFFF;
	(pc) =	sbr.abs _section_cstart, $3  }
0xc1: {  	[dreg:$0x1] =	wrdreg $0xFFFFFFFF  }
0xc2: {  	_ =	task.clear_ibuf [dreg:s6], $0x2FFFF;
	_ =	strace $0x9FFFFFFF  }
0xc3: {  	(tm) =	ssettm $0x7FFFFFFF  }
tec
execute0_lowered:
.L_overlay_start_1:
0x0: {  	(tag) =	ssettag $0x1  }
0x1: {  	s6 =	rddreg [dreg:$0x0]  }
0x2: {  	s1 =	rddreg [dreg:$0x1];
	s0 =	srdreg.scid  }
0x3: {  	s3 =	rddreg [dreg:$0x2];
	s2 =	stileid.u32;
	s4 =	simm.s32 $0x0  }
0x4: {  	s17 =	simm.s32 $0x1;
	s18 =	simm.s32 $0x2;
	s19 =	simm.s32 $0x3  }
0x5: {  	s20 =	simm.s32 $0x50;
	s21 =	simm.s32 $0x4E20;
	s22 =	simm.s32 $0x6220  }
0x6: {  	s23 =	simm.s32 $0x4DD0;
	s5 =	sand.u32 $0x1, s0;
	s0 =	rddreg [dreg:$0x3]  }
0x7: {  	s24 =	simm.s32 $0x0;
	s9 =	smul.u32 $0x9E00, s2;
	[smem:$0x7FF] =	sst s4  }
0x8: {  	s8 =	smul.u32 $0x13C0, s2;
	s15 =	sshll.u32 s2, $0x6;
	s7 =	sshll.u32 s5, $0x4  }
0x9: {  	_ =	strace $0x80000047;
	s11 =	smul.u32 $0x13C00, s5;
	s12 =	ssub.s32 $0x2, s5  }
0xa: {  	s5 =	sadd.s32 $0x2D400, s6;
	s7 =	sor.u32 s2, s7;
	s10 =	sshrl.u32 s9, $0x3  }
0xb: {  	s31 =	sshrl.u32 s12, $0x1;
	s14 =	sadd.s32 s9, s1;
	s16 =	sadd.s32 s9, s3  }
0xc: {  	s7 =	smul.u32 $0x2710, s7;
	s10 =	sadd.s32 s10, s6;
	s8 =	sadd.s32 s8, s11  }
0xd: {  	s11 =	ssub.s32 s12, s31;
	s12 =	simm.s32 $0x2710;
	s13 =	sadd.s32 s8, s6  }
0xe: {  	s8 =	sor.u32 $0x1C03, s15;
	s9 =	sadd.s32 $0x19800, s10;
	s11 =	smax.u32 s11, $0x1  }
0xf: {  	s7 =	sshrl.u32 s7, $0x3;
	s10 =	sadd.s32 $0x2E800, s13;
	s13 =	sshrl.u32 s14, $0x3  }
0x10: {  	s14 =	sor.u32 $0x1C04, s15;
	s15 =	sshrl.u32 s16, $0x3;
	s7 =	sadd.s32 s7, s6  }
0x11: {  	s16 =	simm.s32 $0x4;
	s6 =	sadd.s32 $0x5E00, s7;
	s7 =	sadd.s32 $0xFA40, s7  }
.LBB2_1:
0x12: {  	[tilespmem:s4], [sflag:$0x1] =	stream.linear.gather [hbm4b:s6+s4], $0x2710, $0x38;
	[tilespmem:$0x1B220] =	vst v63  }
0x13: {  	_ = 	snop  }
0x14: {  	[tilespmem:s12], [sflag:$0x2] =	stream.linear.gather [hbm4b:s7+s4], $0x2710, $0x38;
	[tilespmem:$0x1B220] =	vst v63  }
0x15: {  	[spmem:s13], [sflag:s8] =	dma.local [hbm:s5], $0x13C0  }
0x16: {  	[spmem:s15], [sflag:s14] =	dma.local [hbm:s9], $0x13C0  }
0x17: {  	_ =	swait.ge [sflag:s16], $0x13C0  }
0x18: {  	[sflag:s16] =	ssyncset.done $0x0  }
0x19: {  	[sflag:s16] =	ssyncadd.s32 $0xFFFFEC40  }
0x1a: {  	_ =	swait.ge [sflag:s17], $0x2710  }
0x1b: {  	[sflag:s17] =	ssyncset.done $0x0  }
0x1c: {  	[sflag:s17] =	ssyncadd.s32 $0xFFFFD8F0  }
0x1d: {  	_ =	swait.ge [sflag:s18], $0x2710  }
0x1e: {  	[sflag:s18] =	ssyncset.done $0x0  }
0x1f: {  	[sflag:s18] =	ssyncadd.s32 $0xFFFFD8F0  }
0x20: {  	_ =	swait.ge [sflag:s19], $0x13C0  }
0x21: {  	[sflag:s19] =	ssyncset.done $0x0  }
0x22: {  	[sflag:s19] =	ssyncadd.s32 $0xFFFFEC40  }
0x23: {  	[bflag:$0x0] =	sbarrier.arrive $0xFFFF  }
0x24: {  	[tilespmem:s21], [sflag:$0x1] =	stream.indirect.gather [spmem:s3], $0x40, s4, s20, $0xb8;
	[tilespmem:$0x1B220] =	vst v63  }
0x25: {  	s25 =	simm.s32 $0x50  }
0x26: {  	[tilespmem:s22], [sflag:$0x2] =	stream.indirect.gather [spmem:s3], $0x40, s25, s20, $0xb8;
	[tilespmem:$0x1B220] =	vst v63  }
0x27: {  	_ =	swait.ge [sflag:s17], $0x1400  }
0x28: {  	[sflag:s17] =	ssyncset.done $0x0  }
0x29: {  	s29 =	simm.s32 $0x2710;
	[sflag:s17] =	ssyncadd.s32 $0xFFFFEC00  }
0x2a: {  	[spmem:s1] =	stream.indirect.scatter.add.f32 [tilespmem:s21], [sflag:$0x4], $0x40, s29, s20, $0xb8;
	[tilespmem:$0x1B220] =	vst v63  }
0x2b: {  	_ =	swait.ge [sflag:s16], $0x1400  }
0x2c: {  	[sflag:s16] =	ssyncset.done $0x0  }
0x2d: {  	s30 =	simm.s32 $0xA0;
	[sflag:s16] =	ssyncadd.s32 $0xFFFFEC00  }
0x2e: {  	[tilespmem:s21], [sflag:$0x1] =	stream.indirect.gather [spmem:s3], $0x40, s30, s20, $0xb8;
	[tilespmem:$0x1B220] =	vst v63  }
0x2f: {  	_ =	swait.ge [sflag:s18], $0x1400  }
0x30: {  	[sflag:s18] =	ssyncset.done $0x0  }
0x31: {  	s31 =	simm.s32 $0x2760;
	[sflag:s18] =	ssyncadd.s32 $0xFFFFEC00  }
0x32: {  	[spmem:s1] =	stream.indirect.scatter.add.f32 [tilespmem:s22], [sflag:$0x4], $0x40, s31, s20, $0xb8;
	[tilespmem:$0x1B220] =	vst v63  }
0x33: {  	_ =	swait.ge [sflag:s16], $0x1400  }
0x34: {  	s26 =	simm.s32 $0x500;
	s25 =	simm.s32 $0xA0;
	[sflag:s16] =	ssyncset.done $0x0  }
.LBB2_2:
0x35: {  	s28 =	sadd.s32 $0x50, s25  }
0x36: {  	[sflag:s16] =	ssyncadd.s32 $0xFFFFEC00;
	s29 =	smov.u32 s26;
	s30 =	sadd.s32 $0x280, s26  }
0x37: {  	[tilespmem:s22], [sflag:$0x2] =	stream.indirect.gather [spmem:s3], $0x40, s28, s20, $0xb8;
	[tilespmem:$0x1B220] =	vst v63  }
0x38: {  	p0 =	sne.s32 s26, $0x9880;
	_ =	swait.ge [sflag:s17], $0x1400  }
0x39: {  	[sflag:s17] =	ssyncset.done $0x0  }
0x3a: {  	s26 =	sadd.s32 $0x2710, s25;
	[sflag:s17] =	ssyncadd.s32 $0xFFFFEC00  }
0x3b: {  	[spmem:s1] =	stream.indirect.scatter.add.f32 [tilespmem:s21], [sflag:$0x4], $0x40, s26, s20, $0xb8;
	[tilespmem:$0x1B220] =	vst v63  }
0x3c: {  	_ =	swait.ge [sflag:s16], $0x1400  }
0x3d: {  	[sflag:s16] =	ssyncset.done $0x0  }
0x3e: {  	s26 =	sadd.s32 $0xA0, s25;
	[sflag:s16] =	ssyncadd.s32 $0xFFFFEC00  }
0x3f: {  	[tilespmem:s21], [sflag:$0x1] =	stream.indirect.gather [spmem:s3], $0x40, s26, s20, $0xb8;
	[tilespmem:$0x1B220] =	vst v63  }
0x40: {  	_ =	swait.ge [sflag:s18], $0x1400  }
.Ltmp0:
0x41: {  	[sflag:s18] =	ssyncset.done $0x0;
	(pc) =	sbr.rel @p0 .LBB2_2-.Ltmp0, $4  }
0x42: {  	s25 =	sadd.s32 $0x2760, s25;
	[sflag:s18] =	ssyncadd.s32 $0xFFFFEC00  }
0x43: {  	[spmem:s1] =	stream.indirect.scatter.add.f32 [tilespmem:s22], [sflag:$0x4], $0x40, s25, s20, $0xb8;
	[tilespmem:$0x1B220] =	vst v63  }
0x44: {  	_ =	swait.ge [sflag:s16], $0x1400  }
0x45: {  	s26 =	smov.u32 s30;
	s25 =	sshra.s32 s29, $0x2;
	[sflag:s16] =	ssyncset.done $0x0  }
0x46: {  	s26 =	sadd.s32 $0x50, s25;
	[sflag:s16] =	ssyncadd.s32 $0xFFFFEC00  }
0x47: {  	[tilespmem:s22], [sflag:$0x2] =	stream.indirect.gather [spmem:s3], $0x40, s26, s20, $0xb8;
	[tilespmem:$0x1B220] =	vst v63  }
0x48: {  	_ =	swait.ge [sflag:s17], $0x1400  }
0x49: {  	[sflag:s17] =	ssyncset.done $0x0  }
0x4a: {  	s29 =	sadd.s32 $0x2710, s25;
	[sflag:s17] =	ssyncadd.s32 $0xFFFFEC00  }
0x4b: {  	[spmem:s1] =	stream.indirect.scatter.add.f32 [tilespmem:s21], [sflag:$0x4], $0x40, s29, s20, $0xb8;
	[tilespmem:$0x1B220] =	vst v63  }
0x4c: {  	_ =	swait.ge [sflag:s16], $0x1400  }
0x4d: {  	[sflag:s16] =	ssyncset.done $0x0  }
0x4e: {  	s30 =	sadd.s32 $0xA0, s25;
	[sflag:s16] =	ssyncadd.s32 $0xFFFFEC00  }
0x4f: {  	[tilespmem:s21], [sflag:$0x1] =	stream.indirect.gather [spmem:s3], $0x40, s30, s20, $0xb8;
	[tilespmem:$0x1B220] =	vst v63  }
0x50: {  	_ =	swait.ge [sflag:s18], $0x1400  }
0x51: {  	[sflag:s18] =	ssyncset.done $0x0  }
0x52: {  	s31 =	sadd.s32 $0x2760, s25;
	[sflag:s18] =	ssyncadd.s32 $0xFFFFEC00  }
0x53: {  	[spmem:s1] =	stream.indirect.scatter.add.f32 [tilespmem:s22], [sflag:$0x4], $0x40, s31, s20, $0xb8;
	[tilespmem:$0x1B220] =	vst v63  }
0x54: {  	_ =	swait.ge [sflag:s16], $0x1400  }
0x55: {  	[sflag:s16] =	ssyncset.done $0x0  }
0x56: {  	[sflag:s16] =	ssyncadd.s32 $0xFFFFEC00  }
0x57: {  	_ =	swait.ge [sflag:s17], $0x1400  }
0x58: {  	[sflag:s17] =	ssyncset.done $0x0  }
0x59: {  	[sflag:s17] =	ssyncadd.s32 $0xFFFFEC00  }
0x5a: {  	[spmem:s1] =	stream.indirect.scatter.add.f32 [tilespmem:s21], [sflag:$0x4], $0x40, s23, s20, $0xb8;
	[tilespmem:$0x1B220] =	vst v63  }
0x5b: {  	_ =	swait.ge [sflag:s16], $0x1400  }
0x5c: {  	s24 =	sadd.s32 $0x1, s24;
	[sflag:s16] =	ssyncset.done $0x0  }
0x5d: {  	p0 =	sne.s32 s24, s11;
	[sflag:s16] =	ssyncadd.s32 $0xFFFFEC00  }
.Ltmp1:
0x5e: {  	[bflag:$0x0] =	sbarrier.arrive $0xFFFF;
	(pc) =	sbr.rel @p0 .LBB2_1-.Ltmp1, $4  }
0x5f: {  	[hbm:s10], [sflag:s14] =	dma.local [spmem:s13], $0x13C0  }
0x60: {  	_ =	swait.ge [sflag:s16], $0x13C0  }
0x61: {  	[sflag:s16] =	ssyncset.done $0x0  }
0x62: {  	[sflag:s16] =	ssyncadd.s32 $0xFFFFEC40  }
0x63: {  	_ =	sfence.sel $0x180000  }
0x64: {  	[bflag:$0x0] =	sbarrier.arrive $0xFFFF  }
0x65: {  	p0 =	sne.s32 s2, $0x0;
	_ =	strace $0x90000047  }
0x66: {  	s0 =	sadd.s32 @!p0 $0x100000, s0;
	[bflag:$0x2] =	sbarrier.arrive $0xFFFF  }
0x67: {  	[sflag:s0] =	ssyncadd.tile.s32 @!p0 $0x1;
	_ =	shalt  }
.Lfunc_end2:
_tile_overlayer_lowered:
.L_overlay_start_2:
0x68: {  	(tag) =	ssettag $0x2  }
0x69: {  	s0 =	rddreg [dreg:$0x0];
	s2 =	stileid.u32  }
0x6a: {  	s1 =	rddreg [dreg:$0x1];
	p0 =	sne.s32 s2, $0x0  }
0x6b: {  	s3 =	rddreg [dreg:$0x2];
	[bflag:$0x3] =	sbarrier.arrive $0xFFFF;
	s2 =	simm.s32 @!p0 $0x1C04  }
0x6c: {  	[timem:s3], [sflag:s2] =	dma.local @!p0 [hbm:s0], s1  }
0x6d: {  	s0 =	simm.s32 @!p0 $0x4  }
0x6e: {  	_ =	swait.ge @!p0 [sflag:s0], s1  }
0x6f: {  	s1 =	ssub.s32 @!p0 $0x0, s1;
	[sflag:s0] =	ssyncset.done @!p0 $0x0  }
0x70: {  	[sflag:s0] =	ssyncadd.s32 @!p0 s1  }
0x71: {  	[bflag:$0x3] =	sbarrier.arrive $0xFFFF  }
0x72: {  	_ =	shalt  }

</sc_bundles>
